<compile_context>
chip_gen: v7x
topology: tpu7x:2x2x1
jax: 0.10.2.dev20260603
libtpu: 0.0.44.dev20260713+nightly
codegen_flags: <defaults>
</compile_context>

<pallas_src>
import functools

import jax
import jax.numpy as jnp
from jax import lax
from jax.experimental import pallas as pl
from jax.experimental.pallas import tpu as pltpu
from jax.experimental.pallas import tpu_sc as plsc

D = 128
NC = 2
NS = 16
NW = NC * NS
CHUNK = 128
BLK = 2048


def _make_agg(nchunk: int, acc_rows: int, with_count: bool):
    rows_per_sub = acc_rows // NS
    assert rows_per_sub % CHUNK == 0
    mesh = plsc.VectorSubcoreMesh(core_axis_name="c", subcore_axis_name="s",
                                  num_cores=NC, num_subcores=NS)

    out_type = [jax.ShapeDtypeStruct((NC, acc_rows, D), jnp.float32)]
    if with_count:
        out_type.append(jax.ShapeDtypeStruct((NC, acc_rows), jnp.float32))

    scratch_types = [
        pltpu.VMEM((nchunk, CHUNK), jnp.int32),
        pltpu.VMEM((nchunk, CHUNK), jnp.int32),
        pltpu.VMEM((CHUNK, D), jnp.float32),
        pltpu.VMEM((rows_per_sub,), jnp.float32),
        pltpu.VMEM_SHARED((acc_rows, D), jnp.float32),
        pltpu.VMEM_SHARED((acc_rows,), jnp.float32),
        pltpu.SemaphoreType.DMA,
    ]

    def body(x_hbm, srci_hbm, dsti_hbm, *rest):
        if with_count:
            out_hbm, cnt_hbm = rest[0], rest[1]
            rest = rest[2:]
        else:
            out_hbm = rest[0]
            rest = rest[1:]
        srcv, dstv, buf, ones_v, acc, cntacc, sem = rest

        cid = lax.axis_index("c")
        sid = lax.axis_index("s")
        w = cid * NS + sid

        pltpu.sync_copy(srci_hbm.at[w], srcv)
        pltpu.sync_copy(dsti_hbm.at[w], dstv)

        zero16 = jnp.zeros((16,), jnp.float32)
        one16 = jnp.ones((16,), jnp.float32)

        def _zrow(i, _):
            for j in range(D // 16):
                buf[i, pl.ds(j * 16, 16)] = zero16
            return ()

        lax.fori_loop(0, CHUNK, _zrow, ())

        def _zword(i, _):
            ones_v[pl.ds(i * 16, 16)] = zero16
            return ()

        lax.fori_loop(0, rows_per_sub // 16, _zword, ())

        base = sid * rows_per_sub
        pltpu.sync_copy(ones_v, cntacc.at[pl.ds(base, rows_per_sub)])
        for k in range(rows_per_sub // CHUNK):
            pltpu.sync_copy(buf, acc.at[pl.ds(base + k * CHUNK, CHUNK)])

        def _orow(i, _):
            ones_v[pl.ds(i * 16, 16)] = one16
            return ()

        if with_count:
            lax.fori_loop(0, CHUNK // 16, _orow, ())

        plsc.subcore_barrier()

        def _edge(j, _):
            pltpu.async_copy(x_hbm.at[srcv.at[j]], buf, sem).wait()
            pltpu.sync_copy(buf, acc.at[dstv.at[j]], add=True)
            if with_count:
                pltpu.sync_copy(ones_v.at[pl.ds(0, CHUNK)],
                                cntacc.at[dstv.at[j]], add=True)
            return ()

        lax.fori_loop(0, nchunk, _edge, ())

        plsc.subcore_barrier()

        pltpu.sync_copy(acc.at[pl.ds(base, rows_per_sub)],
                        out_hbm.at[cid, pl.ds(base, rows_per_sub)])
        if with_count:
            pltpu.sync_copy(cntacc.at[pl.ds(base, rows_per_sub)],
                            cnt_hbm.at[cid, pl.ds(base, rows_per_sub)])

    return pl.kernel(body, out_type=out_type, mesh=mesh,
                     scratch_types=scratch_types)


def _dense_body(do_relu, s_ref, c_ref, x_ref, wl_ref, wr_ref, b_ref, o_ref):
    s = s_ref[0] + s_ref[1]
    c = c_ref[0] + c_ref[1]
    mean = s / jnp.maximum(c, 1.0)
    acc = jnp.dot(mean, wl_ref[...], preferred_element_type=jnp.float32)
    acc = acc + jnp.dot(x_ref[...], wr_ref[...], preferred_element_type=jnp.float32)
    acc = acc + b_ref[...]
    if do_relu:
        acc = jnp.maximum(acc, 0.0)
    o_ref[...] = acc


def _make_dense(acc_rows: int, do_relu: bool):
    grid = (acc_rows // BLK,)
    return pl.pallas_call(
        functools.partial(_dense_body, do_relu),
        grid=grid,
        in_specs=[
            pl.BlockSpec((NC, BLK, D), lambda i: (0, i, 0)),
            pl.BlockSpec((NC, BLK, 1), lambda i: (0, i, 0)),
            pl.BlockSpec((BLK, D), lambda i: (i, 0)),
            pl.BlockSpec((D, D), lambda i: (0, 0)),
            pl.BlockSpec((D, D), lambda i: (0, 0)),
            pl.BlockSpec((1, D), lambda i: (0, 0)),
        ],
        out_specs=pl.BlockSpec((BLK, D), lambda i: (i, 0)),
        out_shape=jax.ShapeDtypeStruct((acc_rows, D), jnp.float32),
    )


def kernel(x, edge_index, W1l, b1, W1r, W2l, b2, W2r):
    n = x.shape[0]
    e = edge_index.shape[1]
    acc_rows = ((n + BLK) // BLK) * BLK
    nchunk = -(-e // (NW * CHUNK))
    if nchunk % 2:
        nchunk += 1
    e_pad = NW * CHUNK * nchunk

    src = edge_index[0].astype(jnp.int32)
    dst = edge_index[1].astype(jnp.int32)
    src_p = jnp.concatenate([src, jnp.zeros((e_pad - e,), jnp.int32)])
    dst_p = jnp.concatenate([dst, jnp.full((e_pad - e,), n, jnp.int32)])
    srci = src_p.reshape(NW, nchunk, CHUNK)
    dsti = dst_p.reshape(NW, nchunk, CHUNK)

    x_pad = jnp.pad(x, ((0, acc_rows - n), (0, 0)))

    agg1 = _make_agg(nchunk, acc_rows, with_count=True)
    agg2 = _make_agg(nchunk, acc_rows, with_count=False)
    dense1 = _make_dense(acc_rows, do_relu=True)
    dense2 = _make_dense(acc_rows, do_relu=False)

    s1, cnt = agg1(x_pad, srci, dsti)
    cnt = cnt.reshape(NC, acc_rows, 1)
    h_pad = dense1(s1, cnt, x_pad, W1l.T, W1r.T, b1.reshape(1, D))
    [s2] = agg2(h_pad, srci, dsti)
    out_pad = dense2(s2, cnt, h_pad, W2l.T, W2r.T, b2.reshape(1, D))
    return out_pad[:n]

# --- scband reference (transcript-rebuilt; emitter-appended) ---
"""Pipeline reference for scband-graph-sage-27084063769012 (READ-ONLY COPY).

The authoritative reference and input builder live on the scoring server;
editing this copy changes nothing except your own understanding.
"""

import jax, jax.numpy as jnp
import numpy as np

N_NODES = 10000
N_EDGES = 320000
D_IN = 128
D_HID = 128
D_OUT = 128


def setup_inputs(seed: int = 0) -> dict:
    key = jax.random.key(seed)
    ks = jax.random.split(key, 8)
    x = jax.random.normal(ks[0], (N_NODES, D_IN), dtype=jnp.float32)
    edge_index = jax.random.randint(ks[1], (2, N_EDGES), 0, N_NODES, dtype=jnp.int64)
    s1 = 1.0 / np.sqrt(D_IN)
    s2 = 1.0 / np.sqrt(D_HID)
    W1l = jax.random.normal(ks[2], (D_HID, D_IN), dtype=jnp.float32) * s1
    b1 = jnp.zeros((D_HID,), dtype=jnp.float32)
    W1r = jax.random.normal(ks[3], (D_HID, D_IN), dtype=jnp.float32) * s1
    W2l = jax.random.normal(ks[4], (D_OUT, D_HID), dtype=jnp.float32) * s2
    b2 = jnp.zeros((D_OUT,), dtype=jnp.float32)
    W2r = jax.random.normal(ks[5], (D_OUT, D_HID), dtype=jnp.float32) * s2
    return {"x": x, "edge_index": edge_index, "W1l": W1l, "b1": b1, "W1r": W1r,
            "W2l": W2l, "b2": b2, "W2r": W2r}


def _sage_conv(x, edge_index, Wl, b, Wr):
    # PyG SAGEConv with mean aggregation:
    #   out_i = lin_l(mean_{j in N(i)} x_j) + lin_r(x_i)
    src = edge_index[0]
    dst = edge_index[1]
    msg = jnp.take(x, src, axis=0)                                   # gather  [E, d]
    summed = jax.ops.segment_sum(msg, dst, num_segments=x.shape[0])  # scatter-add
    cnt = jax.ops.segment_sum(jnp.ones((src.shape[0], 1), dtype=x.dtype), dst,
                              num_segments=x.shape[0])
    mean = summed / jnp.maximum(cnt, 1.0)
    return mean @ Wl.T + b + x @ Wr.T


def reference(x, edge_index, W1l, b1, W1r, W2l, b2, W2r):
    h = _sage_conv(x, edge_index, W1l, b1, W1r)
    h = jax.nn.relu(h)
    out = _sage_conv(h, edge_index, W2l, b2, W2r)
    return out

if __name__ == "__main__":
    import jax
    _d = setup_inputs()
    print(jax.jit(kernel)(*tuple(_d.values())))

</pallas_src>

<mosaic_0001>
#map = affine_map<(d0, d1) -> (0, 0)>
#map1 = affine_map<(d0, d1) -> (0, 0, 0)>
module attributes {stable_mosaic.version = 14 : i64} {
  func.func @body(%arg0: i32, %arg1: i32, %arg2: memref<10240x128xf32, #tpu.memory_space<hbm>>, %arg3: memref<32x80x128xi32, #tpu.memory_space<hbm>>, %arg4: memref<32x80x128xi32, #tpu.memory_space<hbm>>, %arg5: memref<2x10240x128xf32, #tpu.memory_space<hbm>>, %arg6: memref<2x10240xf32, #tpu.memory_space<hbm>>, %arg7: memref<80x128xi32, #tpu.memory_space<vmem>>, %arg8: memref<80x128xi32, #tpu.memory_space<vmem>>, %arg9: memref<128x128xf32, #tpu.memory_space<vmem>>, %arg10: memref<640xf32, #tpu.memory_space<vmem>>, %arg11: memref<10240x128xf32, #tpu.memory_space<vmem_shared>>, %arg12: memref<10240xf32, #tpu.memory_space<vmem_shared>>, %arg13: memref<!tpu.dma_semaphore, #tpu.memory_space<semaphore_mem>>) attributes {dimension_semantics = [#tpu.dimension_semantics<core_parallel>, #tpu.dimension_semantics<subcore_parallel>], iteration_bounds = array<i64: 2, 16>, scalar_prefetch = 0 : i64, scratch_operands = 7 : i64, tpu.core_type = #tpu.core_type<sc_vector_subcore>, window_params = [{transform_indices = #map}, {transform_indices = #map1}, {transform_indices = #map1}, {transform_indices = #map1}, {transform_indices = #map}]} {
    %mul3A = arith.constant 16 : i32
    %mul3A_0 = arith.muli %arg0, %mul3A : i32
    %add3A = arith.addi %mul3A_0, %arg1 : i32
    "tpu.region"() ({
      %run_scoped3A = tpu.sem_alloc : memref<!tpu.dma_semaphore, #tpu.memory_space<semaphore_mem>>
      %dma_start3A = arith.constant 0 : i32
      %dma_start3A_36 = arith.constant 0 : i32
      %dma_start3A_37 = tpu.memref_slice %arg3[%add3A, %dma_start3A, %dma_start3A_36] : memref<32x80x128xi32, #tpu.memory_space<hbm>> -> memref<1x80x128xi32, #tpu.memory_space<hbm>>
      %dma_start3A_38 = tpu.memref_squeeze %dma_start3A_37 : memref<1x80x128xi32, #tpu.memory_space<hbm>> -> memref<80x128xi32, #tpu.memory_space<hbm>>
      %dma_start3A_39 = arith.constant 0 : i32
      %dma_start3A_40 = arith.constant 0 : i32
      %dma_start3A_41 = tpu.memref_slice %arg3[%add3A, %dma_start3A_39, %dma_start3A_40] : memref<32x80x128xi32, #tpu.memory_space<hbm>> -> memref<1x80x128xi32, #tpu.memory_space<hbm>>
      %dma_start3A_42 = tpu.memref_squeeze %dma_start3A_41 : memref<1x80x128xi32, #tpu.memory_space<hbm>> -> memref<80x128xi32, #tpu.memory_space<hbm>>
      tpu.enqueue_dma source(%dma_start3A_42 : memref<80x128xi32, #tpu.memory_space<hbm>>) target(%arg7 : memref<80x128xi32, #tpu.memory_space<vmem>>) target_semaphore(%run_scoped3A : memref<!tpu.dma_semaphore, #tpu.memory_space<semaphore_mem>>)
      %dma_wait3A = arith.constant 0 : i32
      %dma_wait3A_43 = arith.constant 0 : i32
      %dma_wait3A_44 = tpu.memref_slice %arg3[%add3A, %dma_wait3A, %dma_wait3A_43] : memref<32x80x128xi32, #tpu.memory_space<hbm>> -> memref<1x80x128xi32, #tpu.memory_space<hbm>>
      %dma_wait3A_45 = tpu.memref_squeeze %dma_wait3A_44 : memref<1x80x128xi32, #tpu.memory_space<hbm>> -> memref<80x128xi32, #tpu.memory_space<hbm>>
      %dma_wait3A_46 = arith.constant 0 : i32
      %dma_wait3A_47 = arith.constant 0 : i32
      %dma_wait3A_48 = tpu.memref_slice %arg3[%add3A, %dma_wait3A_46, %dma_wait3A_47] : memref<32x80x128xi32, #tpu.memory_space<hbm>> -> memref<1x80x128xi32, #tpu.memory_space<hbm>>
      %dma_wait3A_49 = tpu.memref_squeeze %dma_wait3A_48 : memref<1x80x128xi32, #tpu.memory_space<hbm>> -> memref<80x128xi32, #tpu.memory_space<hbm>>
      tpu.wait_dma2 semaphore(%run_scoped3A : memref<!tpu.dma_semaphore, #tpu.memory_space<semaphore_mem>>) src(%dma_wait3A_49 : memref<80x128xi32, #tpu.memory_space<hbm>>) dst(%arg7 : memref<80x128xi32, #tpu.memory_space<vmem>>)
      tpu.yield
    }) : () -> ()
    "tpu.region"() ({
      %run_scoped3A = tpu.sem_alloc : memref<!tpu.dma_semaphore, #tpu.memory_space<semaphore_mem>>
      %dma_start3A = arith.constant 0 : i32
      %dma_start3A_36 = arith.constant 0 : i32
      %dma_start3A_37 = tpu.memref_slice %arg4[%add3A, %dma_start3A, %dma_start3A_36] : memref<32x80x128xi32, #tpu.memory_space<hbm>> -> memref<1x80x128xi32, #tpu.memory_space<hbm>>
      %dma_start3A_38 = tpu.memref_squeeze %dma_start3A_37 : memref<1x80x128xi32, #tpu.memory_space<hbm>> -> memref<80x128xi32, #tpu.memory_space<hbm>>
      %dma_start3A_39 = arith.constant 0 : i32
      %dma_start3A_40 = arith.constant 0 : i32
      %dma_start3A_41 = tpu.memref_slice %arg4[%add3A, %dma_start3A_39, %dma_start3A_40] : memref<32x80x128xi32, #tpu.memory_space<hbm>> -> memref<1x80x128xi32, #tpu.memory_space<hbm>>
      %dma_start3A_42 = tpu.memref_squeeze %dma_start3A_41 : memref<1x80x128xi32, #tpu.memory_space<hbm>> -> memref<80x128xi32, #tpu.memory_space<hbm>>
      tpu.enqueue_dma source(%dma_start3A_42 : memref<80x128xi32, #tpu.memory_space<hbm>>) target(%arg8 : memref<80x128xi32, #tpu.memory_space<vmem>>) target_semaphore(%run_scoped3A : memref<!tpu.dma_semaphore, #tpu.memory_space<semaphore_mem>>)
      %dma_wait3A = arith.constant 0 : i32
      %dma_wait3A_43 = arith.constant 0 : i32
      %dma_wait3A_44 = tpu.memref_slice %arg4[%add3A, %dma_wait3A, %dma_wait3A_43] : memref<32x80x128xi32, #tpu.memory_space<hbm>> -> memref<1x80x128xi32, #tpu.memory_space<hbm>>
      %dma_wait3A_45 = tpu.memref_squeeze %dma_wait3A_44 : memref<1x80x128xi32, #tpu.memory_space<hbm>> -> memref<80x128xi32, #tpu.memory_space<hbm>>
      %dma_wait3A_46 = arith.constant 0 : i32
      %dma_wait3A_47 = arith.constant 0 : i32
      %dma_wait3A_48 = tpu.memref_slice %arg4[%add3A, %dma_wait3A_46, %dma_wait3A_47] : memref<32x80x128xi32, #tpu.memory_space<hbm>> -> memref<1x80x128xi32, #tpu.memory_space<hbm>>
      %dma_wait3A_49 = tpu.memref_squeeze %dma_wait3A_48 : memref<1x80x128xi32, #tpu.memory_space<hbm>> -> memref<80x128xi32, #tpu.memory_space<hbm>>
      tpu.wait_dma2 semaphore(%run_scoped3A : memref<!tpu.dma_semaphore, #tpu.memory_space<semaphore_mem>>) src(%dma_wait3A_49 : memref<80x128xi32, #tpu.memory_space<hbm>>) dst(%arg8 : memref<80x128xi32, #tpu.memory_space<vmem>>)
      tpu.yield
    }) : () -> ()
    %broadcast_in_dim3A = arith.constant 0.000000e+00 : f32
    %broadcast_in_dim3A_1 = vector.broadcast %broadcast_in_dim3A : f32 to vector<16xf32>
    %broadcast_in_dim3A_2 = arith.constant 1.000000e+00 : f32
    %broadcast_in_dim3A_3 = vector.broadcast %broadcast_in_dim3A_2 : f32 to vector<16xf32>
    %scan3A = arith.constant 0 : i32
    %scan3A_4 = arith.constant 128 : i32
    %scan3A_5 = arith.addi %scan3A, %scan3A_4 : i32
    %scan3A_6 = arith.constant 1 : i32
    scf.for %scan3A_36 = %scan3A to %scan3A_5 step %scan3A_6  : i32 {
      %swap3A = arith.index_cast %scan3A_36 : i32 to index
      %swap3A_37 = arith.constant 0 : index
      %swap3A_38 = tpu.vector_load %arg9[%swap3A, %swap3A_37] {strides = array<i32>} : memref<128x128xf32, #tpu.memory_space<vmem>>, vector<1x16xf32>,
      %swap3A_39 = vector.shape_cast %swap3A_38 : vector<1x16xf32> to vector<16xf32>
      %swap3A_40 = vector.shape_cast %broadcast_in_dim3A_1 : vector<16xf32> to vector<1x16xf32>
      tpu.vector_store %arg9[%swap3A, %swap3A_37], %swap3A_40 {strides = array<i32>} : memref<128x128xf32, #tpu.memory_space<vmem>>, vector<1x16xf32>,
      %swap3A_41 = arith.index_cast %scan3A_36 : i32 to index
      %swap3A_42 = arith.constant 16 : index
      %swap3A_43 = tpu.vector_load %arg9[%swap3A_41, %swap3A_42] {strides = array<i32>} : memref<128x128xf32, #tpu.memory_space<vmem>>, vector<1x16xf32>,
      %swap3A_44 = vector.shape_cast %swap3A_43 : vector<1x16xf32> to vector<16xf32>
      %swap3A_45 = vector.shape_cast %broadcast_in_dim3A_1 : vector<16xf32> to vector<1x16xf32>
      tpu.vector_store %arg9[%swap3A_41, %swap3A_42], %swap3A_45 {strides = array<i32>} : memref<128x128xf32, #tpu.memory_space<vmem>>, vector<1x16xf32>,
      %swap3A_46 = arith.index_cast %scan3A_36 : i32 to index
      %swap3A_47 = arith.constant 32 : index
      %swap3A_48 = tpu.vector_load %arg9[%swap3A_46, %swap3A_47] {strides = array<i32>} : memref<128x128xf32, #tpu.memory_space<vmem>>, vector<1x16xf32>,
      %swap3A_49 = vector.shape_cast %swap3A_48 : vector<1x16xf32> to vector<16xf32>
      %swap3A_50 = vector.shape_cast %broadcast_in_dim3A_1 : vector<16xf32> to vector<1x16xf32>
      tpu.vector_store %arg9[%swap3A_46, %swap3A_47], %swap3A_50 {strides = array<i32>} : memref<128x128xf32, #tpu.memory_space<vmem>>, vector<1x16xf32>,
      %swap3A_51 = arith.index_cast %scan3A_36 : i32 to index
      %swap3A_52 = arith.constant 48 : index
      %swap3A_53 = tpu.vector_load %arg9[%swap3A_51, %swap3A_52] {strides = array<i32>} : memref<128x128xf32, #tpu.memory_space<vmem>>, vector<1x16xf32>,
      %swap3A_54 = vector.shape_cast %swap3A_53 : vector<1x16xf32> to vector<16xf32>
      %swap3A_55 = vector.shape_cast %broadcast_in_dim3A_1 : vector<16xf32> to vector<1x16xf32>
      tpu.vector_store %arg9[%swap3A_51, %swap3A_52], %swap3A_55 {strides = array<i32>} : memref<128x128xf32, #tpu.memory_space<vmem>>, vector<1x16xf32>,
      %swap3A_56 = arith.index_cast %scan3A_36 : i32 to index
      %swap3A_57 = arith.constant 64 : index
      %swap3A_58 = tpu.vector_load %arg9[%swap3A_56, %swap3A_57] {strides = array<i32>} : memref<128x128xf32, #tpu.memory_space<vmem>>, vector<1x16xf32>,
      %swap3A_59 = vector.shape_cast %swap3A_58 : vector<1x16xf32> to vector<16xf32>
      %swap3A_60 = vector.shape_cast %broadcast_in_dim3A_1 : vector<16xf32> to vector<1x16xf32>
      tpu.vector_store %arg9[%swap3A_56, %swap3A_57], %swap3A_60 {strides = array<i32>} : memref<128x128xf32, #tpu.memory_space<vmem>>, vector<1x16xf32>,
      %swap3A_61 = arith.index_cast %scan3A_36 : i32 to index
      %swap3A_62 = arith.constant 80 : index
      %swap3A_63 = tpu.vector_load %arg9[%swap3A_61, %swap3A_62] {strides = array<i32>} : memref<128x128xf32, #tpu.memory_space<vmem>>, vector<1x16xf32>,
      %swap3A_64 = vector.shape_cast %swap3A_63 : vector<1x16xf32> to vector<16xf32>
      %swap3A_65 = vector.shape_cast %broadcast_in_dim3A_1 : vector<16xf32> to vector<1x16xf32>
      tpu.vector_store %arg9[%swap3A_61, %swap3A_62], %swap3A_65 {strides = array<i32>} : memref<128x128xf32, #tpu.memory_space<vmem>>, vector<1x16xf32>,
      %swap3A_66 = arith.index_cast %scan3A_36 : i32 to index
      %swap3A_67 = arith.constant 96 : index
      %swap3A_68 = tpu.vector_load %arg9[%swap3A_66, %swap3A_67] {strides = array<i32>} : memref<128x128xf32, #tpu.memory_space<vmem>>, vector<1x16xf32>,
      %swap3A_69 = vector.shape_cast %swap3A_68 : vector<1x16xf32> to vector<16xf32>
      %swap3A_70 = vector.shape_cast %broadcast_in_dim3A_1 : vector<16xf32> to vector<1x16xf32>
      tpu.vector_store %arg9[%swap3A_66, %swap3A_67], %swap3A_70 {strides = array<i32>} : memref<128x128xf32, #tpu.memory_space<vmem>>, vector<1x16xf32>,
      %swap3A_71 = arith.index_cast %scan3A_36 : i32 to index
      %swap3A_72 = arith.constant 112 : index
      %swap3A_73 = tpu.vector_load %arg9[%swap3A_71, %swap3A_72] {strides = array<i32>} : memref<128x128xf32, #tpu.memory_space<vmem>>, vector<1x16xf32>,
      %swap3A_74 = vector.shape_cast %swap3A_73 : vector<1x16xf32> to vector<16xf32>
      %swap3A_75 = vector.shape_cast %broadcast_in_dim3A_1 : vector<16xf32> to vector<1x16xf32>
      tpu.vector_store %arg9[%swap3A_71, %swap3A_72], %swap3A_75 {strides = array<i32>} : memref<128x128xf32, #tpu.memory_space<vmem>>, vector<1x16xf32>,
    }
    %scan3A_7 = arith.constant 128 : i32
    %scan3A_8 = arith.constant 0 : i32
    %scan3A_9 = arith.constant 40 : i32
    %scan3A_10 = arith.addi %scan3A_8, %scan3A_9 : i32
    %scan3A_11 = arith.constant 1 : i32
    scf.for %scan3A_36 = %scan3A_8 to %scan3A_10 step %scan3A_11  : i32 {
      %mul3A_37 = arith.constant 16 : i32
      %mul3A_38 = arith.muli %scan3A_36, %mul3A_37 : i32
      %swap3A = arith.index_cast %mul3A_38 : i32 to index
      %swap3A_39 = tpu.vector_load %arg10[%swap3A] {strides = array<i32>} : memref<640xf32, #tpu.memory_space<vmem>>, vector<16xf32>,
      %swap3A_40 = vector.shape_cast %swap3A_39 : vector<16xf32> to vector<16xf32>
      %swap3A_41 = vector.shape_cast %broadcast_in_dim3A_1 : vector<16xf32> to vector<16xf32>
      tpu.vector_store %arg10[%swap3A], %swap3A_41 {strides = array<i32>} : memref<640xf32, #tpu.memory_space<vmem>>, vector<16xf32>,
    }
    %scan3A_12 = arith.constant 40 : i32
    %mul3A_13 = arith.constant 640 : i32
    %mul3A_14 = arith.muli %arg1, %mul3A_13 : i32
    "tpu.region"() ({
      %run_scoped3A = tpu.sem_alloc : memref<!tpu.dma_semaphore, #tpu.memory_space<semaphore_mem>>
      %dma_start3A = tpu.memref_slice %arg12[%mul3A_14] : memref<10240xf32, #tpu.memory_space<vmem_shared>> -> memref<640xf32, #tpu.memory_space<vmem_shared>>
      %dma_start3A_36 = tpu.memref_slice %arg12[%mul3A_14] : memref<10240xf32, #tpu.memory_space<vmem_shared>> -> memref<640xf32, #tpu.memory_space<vmem_shared>>
      tpu.enqueue_dma source(%arg10 : memref<640xf32, #tpu.memory_space<vmem>>) target(%dma_start3A_36 : memref<640xf32, #tpu.memory_space<vmem_shared>>) target_semaphore(%run_scoped3A : memref<!tpu.dma_semaphore, #tpu.memory_space<semaphore_mem>>)
      %dma_wait3A = tpu.memref_slice %arg12[%mul3A_14] : memref<10240xf32, #tpu.memory_space<vmem_shared>> -> memref<640xf32, #tpu.memory_space<vmem_shared>>
      %dma_wait3A_37 = tpu.memref_slice %arg12[%mul3A_14] : memref<10240xf32, #tpu.memory_space<vmem_shared>> -> memref<640xf32, #tpu.memory_space<vmem_shared>>
      tpu.wait_dma2 semaphore(%run_scoped3A : memref<!tpu.dma_semaphore, #tpu.memory_space<semaphore_mem>>) src(%arg10 : memref<640xf32, #tpu.memory_space<vmem>>) dst(%dma_wait3A_37 : memref<640xf32, #tpu.memory_space<vmem_shared>>)
      tpu.yield
    }) : () -> ()
    %add3A_15 = arith.constant 0 : i32
    %add3A_16 = arith.addi %mul3A_14, %add3A_15 : i32
    "tpu.region"() ({
      %run_scoped3A = tpu.sem_alloc : memref<!tpu.dma_semaphore, #tpu.memory_space<semaphore_mem>>
      %dma_start3A = arith.constant 0 : i32
      %dma_start3A_36 = tpu.memref_slice %arg11[%add3A_16, %dma_start3A] : memref<10240x128xf32, #tpu.memory_space<vmem_shared>> -> memref<128x128xf32, #tpu.memory_space<vmem_shared>>
      %dma_start3A_37 = arith.constant 0 : i32
      %dma_start3A_38 = tpu.memref_slice %arg11[%add3A_16, %dma_start3A_37] : memref<10240x128xf32, #tpu.memory_space<vmem_shared>> -> memref<128x128xf32, #tpu.memory_space<vmem_shared>>
      tpu.enqueue_dma source(%arg9 : memref<128x128xf32, #tpu.memory_space<vmem>>) target(%dma_start3A_38 : memref<128x128xf32, #tpu.memory_space<vmem_shared>>) target_semaphore(%run_scoped3A : memref<!tpu.dma_semaphore, #tpu.memory_space<semaphore_mem>>)
      %dma_wait3A = arith.constant 0 : i32
      %dma_wait3A_39 = tpu.memref_slice %arg11[%add3A_16, %dma_wait3A] : memref<10240x128xf32, #tpu.memory_space<vmem_shared>> -> memref<128x128xf32, #tpu.memory_space<vmem_shared>>
      %dma_wait3A_40 = arith.constant 0 : i32
      %dma_wait3A_41 = tpu.memref_slice %arg11[%add3A_16, %dma_wait3A_40] : memref<10240x128xf32, #tpu.memory_space<vmem_shared>> -> memref<128x128xf32, #tpu.memory_space<vmem_shared>>
      tpu.wait_dma2 semaphore(%run_scoped3A : memref<!tpu.dma_semaphore, #tpu.memory_space<semaphore_mem>>) src(%arg9 : memref<128x128xf32, #tpu.memory_space<vmem>>) dst(%dma_wait3A_41 : memref<128x128xf32, #tpu.memory_space<vmem_shared>>)
      tpu.yield
    }) : () -> ()
    %add3A_17 = arith.constant 128 : i32
    %add3A_18 = arith.addi %mul3A_14, %add3A_17 : i32
    "tpu.region"() ({
      %run_scoped3A = tpu.sem_alloc : memref<!tpu.dma_semaphore, #tpu.memory_space<semaphore_mem>>
      %dma_start3A = arith.constant 0 : i32
      %dma_start3A_36 = tpu.memref_slice %arg11[%add3A_18, %dma_start3A] : memref<10240x128xf32, #tpu.memory_space<vmem_shared>> -> memref<128x128xf32, #tpu.memory_space<vmem_shared>>
      %dma_start3A_37 = arith.constant 0 : i32
      %dma_start3A_38 = tpu.memref_slice %arg11[%add3A_18, %dma_start3A_37] : memref<10240x128xf32, #tpu.memory_space<vmem_shared>> -> memref<128x128xf32, #tpu.memory_space<vmem_shared>>
      tpu.enqueue_dma source(%arg9 : memref<128x128xf32, #tpu.memory_space<vmem>>) target(%dma_start3A_38 : memref<128x128xf32, #tpu.memory_space<vmem_shared>>) target_semaphore(%run_scoped3A : memref<!tpu.dma_semaphore, #tpu.memory_space<semaphore_mem>>)
      %dma_wait3A = arith.constant 0 : i32
      %dma_wait3A_39 = tpu.memref_slice %arg11[%add3A_18, %dma_wait3A] : memref<10240x128xf32, #tpu.memory_space<vmem_shared>> -> memref<128x128xf32, #tpu.memory_space<vmem_shared>>
      %dma_wait3A_40 = arith.constant 0 : i32
      %dma_wait3A_41 = tpu.memref_slice %arg11[%add3A_18, %dma_wait3A_40] : memref<10240x128xf32, #tpu.memory_space<vmem_shared>> -> memref<128x128xf32, #tpu.memory_space<vmem_shared>>
      tpu.wait_dma2 semaphore(%run_scoped3A : memref<!tpu.dma_semaphore, #tpu.memory_space<semaphore_mem>>) src(%arg9 : memref<128x128xf32, #tpu.memory_space<vmem>>) dst(%dma_wait3A_41 : memref<128x128xf32, #tpu.memory_space<vmem_shared>>)
      tpu.yield
    }) : () -> ()
    %add3A_19 = arith.constant 256 : i32
    %add3A_20 = arith.addi %mul3A_14, %add3A_19 : i32
    "tpu.region"() ({
      %run_scoped3A = tpu.sem_alloc : memref<!tpu.dma_semaphore, #tpu.memory_space<semaphore_mem>>
      %dma_start3A = arith.constant 0 : i32
      %dma_start3A_36 = tpu.memref_slice %arg11[%add3A_20, %dma_start3A] : memref<10240x128xf32, #tpu.memory_space<vmem_shared>> -> memref<128x128xf32, #tpu.memory_space<vmem_shared>>
      %dma_start3A_37 = arith.constant 0 : i32
      %dma_start3A_38 = tpu.memref_slice %arg11[%add3A_20, %dma_start3A_37] : memref<10240x128xf32, #tpu.memory_space<vmem_shared>> -> memref<128x128xf32, #tpu.memory_space<vmem_shared>>
      tpu.enqueue_dma source(%arg9 : memref<128x128xf32, #tpu.memory_space<vmem>>) target(%dma_start3A_38 : memref<128x128xf32, #tpu.memory_space<vmem_shared>>) target_semaphore(%run_scoped3A : memref<!tpu.dma_semaphore, #tpu.memory_space<semaphore_mem>>)
      %dma_wait3A = arith.constant 0 : i32
      %dma_wait3A_39 = tpu.memref_slice %arg11[%add3A_20, %dma_wait3A] : memref<10240x128xf32, #tpu.memory_space<vmem_shared>> -> memref<128x128xf32, #tpu.memory_space<vmem_shared>>
      %dma_wait3A_40 = arith.constant 0 : i32
      %dma_wait3A_41 = tpu.memref_slice %arg11[%add3A_20, %dma_wait3A_40] : memref<10240x128xf32, #tpu.memory_space<vmem_shared>> -> memref<128x128xf32, #tpu.memory_space<vmem_shared>>
      tpu.wait_dma2 semaphore(%run_scoped3A : memref<!tpu.dma_semaphore, #tpu.memory_space<semaphore_mem>>) src(%arg9 : memref<128x128xf32, #tpu.memory_space<vmem>>) dst(%dma_wait3A_41 : memref<128x128xf32, #tpu.memory_space<vmem_shared>>)
      tpu.yield
    }) : () -> ()
    %add3A_21 = arith.constant 384 : i32
    %add3A_22 = arith.addi %mul3A_14, %add3A_21 : i32
    "tpu.region"() ({
      %run_scoped3A = tpu.sem_alloc : memref<!tpu.dma_semaphore, #tpu.memory_space<semaphore_mem>>
      %dma_start3A = arith.constant 0 : i32
      %dma_start3A_36 = tpu.memref_slice %arg11[%add3A_22, %dma_start3A] : memref<10240x128xf32, #tpu.memory_space<vmem_shared>> -> memref<128x128xf32, #tpu.memory_space<vmem_shared>>
      %dma_start3A_37 = arith.constant 0 : i32
      %dma_start3A_38 = tpu.memref_slice %arg11[%add3A_22, %dma_start3A_37] : memref<10240x128xf32, #tpu.memory_space<vmem_shared>> -> memref<128x128xf32, #tpu.memory_space<vmem_shared>>
      tpu.enqueue_dma source(%arg9 : memref<128x128xf32, #tpu.memory_space<vmem>>) target(%dma_start3A_38 : memref<128x128xf32, #tpu.memory_space<vmem_shared>>) target_semaphore(%run_scoped3A : memref<!tpu.dma_semaphore, #tpu.memory_space<semaphore_mem>>)
      %dma_wait3A = arith.constant 0 : i32
      %dma_wait3A_39 = tpu.memref_slice %arg11[%add3A_22, %dma_wait3A] : memref<10240x128xf32, #tpu.memory_space<vmem_shared>> -> memref<128x128xf32, #tpu.memory_space<vmem_shared>>
      %dma_wait3A_40 = arith.constant 0 : i32
      %dma_wait3A_41 = tpu.memref_slice %arg11[%add3A_22, %dma_wait3A_40] : memref<10240x128xf32, #tpu.memory_space<vmem_shared>> -> memref<128x128xf32, #tpu.memory_space<vmem_shared>>
      tpu.wait_dma2 semaphore(%run_scoped3A : memref<!tpu.dma_semaphore, #tpu.memory_space<semaphore_mem>>) src(%arg9 : memref<128x128xf32, #tpu.memory_space<vmem>>) dst(%dma_wait3A_41 : memref<128x128xf32, #tpu.memory_space<vmem_shared>>)
      tpu.yield
    }) : () -> ()
    %add3A_23 = arith.constant 512 : i32
    %add3A_24 = arith.addi %mul3A_14, %add3A_23 : i32
    "tpu.region"() ({
      %run_scoped3A = tpu.sem_alloc : memref<!tpu.dma_semaphore, #tpu.memory_space<semaphore_mem>>
      %dma_start3A = arith.constant 0 : i32
      %dma_start3A_36 = tpu.memref_slice %arg11[%add3A_24, %dma_start3A] : memref<10240x128xf32, #tpu.memory_space<vmem_shared>> -> memref<128x128xf32, #tpu.memory_space<vmem_shared>>
      %dma_start3A_37 = arith.constant 0 : i32
      %dma_start3A_38 = tpu.memref_slice %arg11[%add3A_24, %dma_start3A_37] : memref<10240x128xf32, #tpu.memory_space<vmem_shared>> -> memref<128x128xf32, #tpu.memory_space<vmem_shared>>
      tpu.enqueue_dma source(%arg9 : memref<128x128xf32, #tpu.memory_space<vmem>>) target(%dma_start3A_38 : memref<128x128xf32, #tpu.memory_space<vmem_shared>>) target_semaphore(%run_scoped3A : memref<!tpu.dma_semaphore, #tpu.memory_space<semaphore_mem>>)
      %dma_wait3A = arith.constant 0 : i32
      %dma_wait3A_39 = tpu.memref_slice %arg11[%add3A_24, %dma_wait3A] : memref<10240x128xf32, #tpu.memory_space<vmem_shared>> -> memref<128x128xf32, #tpu.memory_space<vmem_shared>>
      %dma_wait3A_40 = arith.constant 0 : i32
      %dma_wait3A_41 = tpu.memref_slice %arg11[%add3A_24, %dma_wait3A_40] : memref<10240x128xf32, #tpu.memory_space<vmem_shared>> -> memref<128x128xf32, #tpu.memory_space<vmem_shared>>
      tpu.wait_dma2 semaphore(%run_scoped3A : memref<!tpu.dma_semaphore, #tpu.memory_space<semaphore_mem>>) src(%arg9 : memref<128x128xf32, #tpu.memory_space<vmem>>) dst(%dma_wait3A_41 : memref<128x128xf32, #tpu.memory_space<vmem_shared>>)
      tpu.yield
    }) : () -> ()
    %scan3A_25 = arith.constant 0 : i32
    %scan3A_26 = arith.constant 8 : i32
    %scan3A_27 = arith.addi %scan3A_25, %scan3A_26 : i32
    %scan3A_28 = arith.constant 1 : i32
    scf.for %scan3A_36 = %scan3A_25 to %scan3A_27 step %scan3A_28  : i32 {
      %mul3A_37 = arith.constant 16 : i32
      %mul3A_38 = arith.muli %scan3A_36, %mul3A_37 : i32
      %swap3A = arith.index_cast %mul3A_38 : i32 to index
      %swap3A_39 = tpu.vector_load %arg10[%swap3A] {strides = array<i32>} : memref<640xf32, #tpu.memory_space<vmem>>, vector<16xf32>,
      %swap3A_40 = vector.shape_cast %swap3A_39 : vector<16xf32> to vector<16xf32>
      %swap3A_41 = vector.shape_cast %broadcast_in_dim3A_3 : vector<16xf32> to vector<16xf32>
      tpu.vector_store %arg10[%swap3A], %swap3A_41 {strides = array<i32>} : memref<640xf32, #tpu.memory_space<vmem>>, vector<16xf32>,
    }
    %scan3A_29 = arith.constant 8 : i32
    %barrier3A = arith.constant 0 : index
    tpu.barrier barrier_id(%barrier3A)
    %scan3A_30 = arith.constant 0 : i32
    %scan3A_31 = arith.constant 80 : i32
    %scan3A_32 = arith.addi %scan3A_30, %scan3A_31 : i32
    %scan3A_33 = arith.constant 1 : i32
    scf.for %scan3A_36 = %scan3A_30 to %scan3A_32 step %scan3A_33  : i32 {
      %dma_start3A = arith.constant 0 : i32
      %dma_start3A_37 = tpu.memref_slice %arg7[%scan3A_36, %dma_start3A] : memref<80x128xi32, #tpu.memory_space<vmem>> -> memref<1x128xi32, #tpu.memory_space<vmem>>
      %dma_start3A_38 = tpu.memref_squeeze %dma_start3A_37 : memref<1x128xi32, #tpu.memory_space<vmem>> -> memref<128xi32, #tpu.memory_space<vmem>>
      %dma_start3A_39 = arith.constant 0 : i32
      %dma_start3A_40 = arith.constant 0 : i32
      %dma_start3A_41 = tpu.memref_slice %arg2[%dma_start3A_39, %dma_start3A_40] : memref<10240x128xf32, #tpu.memory_space<hbm>> -> memref<10240x128xf32, #tpu.memory_space<hbm>>
      tpu.enqueue_indirect_dma source(%dma_start3A_41 : memref<10240x128xf32, #tpu.memory_space<hbm>>) target(%arg9 : memref<128x128xf32, #tpu.memory_space<vmem>>) offsets(%dma_start3A_38 : memref<128xi32, #tpu.memory_space<vmem>>) semaphore(%arg13 : memref<!tpu.dma_semaphore, #tpu.memory_space<semaphore_mem>>)
      %dma_wait3A = arith.constant 0 : i32
      %dma_wait3A_42 = tpu.memref_slice %arg7[%scan3A_36, %dma_wait3A] : memref<80x128xi32, #tpu.memory_space<vmem>> -> memref<1x128xi32, #tpu.memory_space<vmem>>
      %dma_wait3A_43 = tpu.memref_squeeze %dma_wait3A_42 : memref<1x128xi32, #tpu.memory_space<vmem>> -> memref<128xi32, #tpu.memory_space<vmem>>
      %dma_wait3A_44 = arith.constant 0 : i32
      %dma_wait3A_45 = arith.constant 0 : i32
      %dma_wait3A_46 = tpu.memref_slice %arg2[%dma_wait3A_44, %dma_wait3A_45] : memref<10240x128xf32, #tpu.memory_space<hbm>> -> memref<10240x128xf32, #tpu.memory_space<hbm>>
      tpu.wait_indirect_dma semaphore(%arg13 : memref<!tpu.dma_semaphore, #tpu.memory_space<semaphore_mem>>) src(%dma_wait3A_46 : memref<10240x128xf32, #tpu.memory_space<hbm>>) dst(%arg9 : memref<128x128xf32, #tpu.memory_space<vmem>>)
      "tpu.region"() ({
        %run_scoped3A = tpu.sem_alloc : memref<!tpu.dma_semaphore, #tpu.memory_space<semaphore_mem>>
        %dma_start3A_47 = arith.constant 0 : i32
        %dma_start3A_48 = tpu.memref_slice %arg8[%scan3A_36, %dma_start3A_47] : memref<80x128xi32, #tpu.memory_space<vmem>> -> memref<1x128xi32, #tpu.memory_space<vmem>>
        %dma_start3A_49 = tpu.memref_squeeze %dma_start3A_48 : memref<1x128xi32, #tpu.memory_space<vmem>> -> memref<128xi32, #tpu.memory_space<vmem>>
        %dma_start3A_50 = arith.constant 0 : i32
        %dma_start3A_51 = arith.constant 0 : i32
        %dma_start3A_52 = tpu.memref_slice %arg11[%dma_start3A_50, %dma_start3A_51] : memref<10240x128xf32, #tpu.memory_space<vmem_shared>> -> memref<10240x128xf32, #tpu.memory_space<vmem_shared>>
        tpu.enqueue_indirect_dma source(%arg9 : memref<128x128xf32, #tpu.memory_space<vmem>>) target(%dma_start3A_52 : memref<10240x128xf32, #tpu.memory_space<vmem_shared>>) offsets(%dma_start3A_49 : memref<128xi32, #tpu.memory_space<vmem>>) semaphore(%run_scoped3A : memref<!tpu.dma_semaphore, #tpu.memory_space<semaphore_mem>>) {add = true}
        %dma_wait3A_53 = arith.constant 0 : i32
        %dma_wait3A_54 = tpu.memref_slice %arg8[%scan3A_36, %dma_wait3A_53] : memref<80x128xi32, #tpu.memory_space<vmem>> -> memref<1x128xi32, #tpu.memory_space<vmem>>
        %dma_wait3A_55 = tpu.memref_squeeze %dma_wait3A_54 : memref<1x128xi32, #tpu.memory_space<vmem>> -> memref<128xi32, #tpu.memory_space<vmem>>
        %dma_wait3A_56 = arith.constant 0 : i32
        %dma_wait3A_57 = arith.constant 0 : i32
        %dma_wait3A_58 = tpu.memref_slice %arg11[%dma_wait3A_56, %dma_wait3A_57] : memref<10240x128xf32, #tpu.memory_space<vmem_shared>> -> memref<10240x128xf32, #tpu.memory_space<vmem_shared>>
        tpu.wait_indirect_dma semaphore(%run_scoped3A : memref<!tpu.dma_semaphore, #tpu.memory_space<semaphore_mem>>) src(%arg9 : memref<128x128xf32, #tpu.memory_space<vmem>>) dst(%dma_wait3A_58 : memref<10240x128xf32, #tpu.memory_space<vmem_shared>>)
        tpu.yield
      }) : () -> ()
      "tpu.region"() ({
        %run_scoped3A = tpu.sem_alloc : memref<!tpu.dma_semaphore, #tpu.memory_space<semaphore_mem>>
        %dma_start3A_47 = arith.constant 0 : i32
        %dma_start3A_48 = tpu.memref_slice %arg10[%dma_start3A_47] : memref<640xf32, #tpu.memory_space<vmem>> -> memref<128xf32, #tpu.memory_space<vmem>>
        %dma_start3A_49 = arith.constant 0 : i32
        %dma_start3A_50 = tpu.memref_slice %arg8[%scan3A_36, %dma_start3A_49] : memref<80x128xi32, #tpu.memory_space<vmem>> -> memref<1x128xi32, #tpu.memory_space<vmem>>
        %dma_start3A_51 = tpu.memref_squeeze %dma_start3A_50 : memref<1x128xi32, #tpu.memory_space<vmem>> -> memref<128xi32, #tpu.memory_space<vmem>>
        %dma_start3A_52 = arith.constant 0 : i32
        %dma_start3A_53 = tpu.memref_slice %arg12[%dma_start3A_52] : memref<10240xf32, #tpu.memory_space<vmem_shared>> -> memref<10240xf32, #tpu.memory_space<vmem_shared>>
        tpu.enqueue_indirect_dma source(%dma_start3A_48 : memref<128xf32, #tpu.memory_space<vmem>>) target(%dma_start3A_53 : memref<10240xf32, #tpu.memory_space<vmem_shared>>) offsets(%dma_start3A_51 : memref<128xi32, #tpu.memory_space<vmem>>) semaphore(%run_scoped3A : memref<!tpu.dma_semaphore, #tpu.memory_space<semaphore_mem>>) {add = true}
        %dma_wait3A_54 = arith.constant 0 : i32
        %dma_wait3A_55 = tpu.memref_slice %arg10[%dma_wait3A_54] : memref<640xf32, #tpu.memory_space<vmem>> -> memref<128xf32, #tpu.memory_space<vmem>>
        %dma_wait3A_56 = arith.constant 0 : i32
        %dma_wait3A_57 = tpu.memref_slice %arg8[%scan3A_36, %dma_wait3A_56] : memref<80x128xi32, #tpu.memory_space<vmem>> -> memref<1x128xi32, #tpu.memory_space<vmem>>
        %dma_wait3A_58 = tpu.memref_squeeze %dma_wait3A_57 : memref<1x128xi32, #tpu.memory_space<vmem>> -> memref<128xi32, #tpu.memory_space<vmem>>
        %dma_wait3A_59 = arith.constant 0 : i32
        %dma_wait3A_60 = tpu.memref_slice %arg12[%dma_wait3A_59] : memref<10240xf32, #tpu.memory_space<vmem_shared>> -> memref<10240xf32, #tpu.memory_space<vmem_shared>>
        tpu.wait_indirect_dma semaphore(%run_scoped3A : memref<!tpu.dma_semaphore, #tpu.memory_space<semaphore_mem>>) src(%dma_wait3A_55 : memref<128xf32, #tpu.memory_space<vmem>>) dst(%dma_wait3A_60 : memref<10240xf32, #tpu.memory_space<vmem_shared>>)
        tpu.yield
      }) : () -> ()
    }
    %scan3A_34 = arith.constant 80 : i32
    %barrier3A_35 = arith.constant 0 : index
    tpu.barrier barrier_id(%barrier3A_35)
    "tpu.region"() ({
      %run_scoped3A = tpu.sem_alloc : memref<!tpu.dma_semaphore, #tpu.memory_space<semaphore_mem>>
      %dma_start3A = arith.constant 0 : i32
      %dma_start3A_36 = tpu.memref_slice %arg5[%arg0, %mul3A_14, %dma_start3A] : memref<2x10240x128xf32, #tpu.memory_space<hbm>> -> memref<1x640x128xf32, #tpu.memory_space<hbm>>
      %dma_start3A_37 = tpu.memref_squeeze %dma_start3A_36 : memref<1x640x128xf32, #tpu.memory_space<hbm>> -> memref<640x128xf32, #tpu.memory_space<hbm>>
      %dma_start3A_38 = arith.constant 0 : i32
      %dma_start3A_39 = tpu.memref_slice %arg11[%mul3A_14, %dma_start3A_38] : memref<10240x128xf32, #tpu.memory_space<vmem_shared>> -> memref<640x128xf32, #tpu.memory_space<vmem_shared>>
      tpu.enqueue_dma source(%dma_start3A_39 : memref<640x128xf32, #tpu.memory_space<vmem_shared>>) target(%dma_start3A_37 : memref<640x128xf32, #tpu.memory_space<hbm>>) target_semaphore(%run_scoped3A : memref<!tpu.dma_semaphore, #tpu.memory_space<semaphore_mem>>)
      %dma_wait3A = arith.constant 0 : i32
      %dma_wait3A_40 = tpu.memref_slice %arg5[%arg0, %mul3A_14, %dma_wait3A] : memref<2x10240x128xf32, #tpu.memory_space<hbm>> -> memref<1x640x128xf32, #tpu.memory_space<hbm>>
      %dma_wait3A_41 = tpu.memref_squeeze %dma_wait3A_40 : memref<1x640x128xf32, #tpu.memory_space<hbm>> -> memref<640x128xf32, #tpu.memory_space<hbm>>
      %dma_wait3A_42 = arith.constant 0 : i32
      %dma_wait3A_43 = tpu.memref_slice %arg11[%mul3A_14, %dma_wait3A_42] : memref<10240x128xf32, #tpu.memory_space<vmem_shared>> -> memref<640x128xf32, #tpu.memory_space<vmem_shared>>
      tpu.wait_dma2 semaphore(%run_scoped3A : memref<!tpu.dma_semaphore, #tpu.memory_space<semaphore_mem>>) src(%dma_wait3A_43 : memref<640x128xf32, #tpu.memory_space<vmem_shared>>) dst(%dma_wait3A_41 : memref<640x128xf32, #tpu.memory_space<hbm>>)
      tpu.yield
    }) : () -> ()
    "tpu.region"() ({
      %run_scoped3A = tpu.sem_alloc : memref<!tpu.dma_semaphore, #tpu.memory_space<semaphore_mem>>
      %dma_start3A = tpu.memref_slice %arg6[%arg0, %mul3A_14] : memref<2x10240xf32, #tpu.memory_space<hbm>> -> memref<1x640xf32, #tpu.memory_space<hbm>>
      %dma_start3A_36 = tpu.memref_squeeze %dma_start3A : memref<1x640xf32, #tpu.memory_space<hbm>> -> memref<640xf32, #tpu.memory_space<hbm>>
      %dma_start3A_37 = tpu.memref_slice %arg12[%mul3A_14] : memref<10240xf32, #tpu.memory_space<vmem_shared>> -> memref<640xf32, #tpu.memory_space<vmem_shared>>
      tpu.enqueue_dma source(%dma_start3A_37 : memref<640xf32, #tpu.memory_space<vmem_shared>>) target(%dma_start3A_36 : memref<640xf32, #tpu.memory_space<hbm>>) target_semaphore(%run_scoped3A : memref<!tpu.dma_semaphore, #tpu.memory_space<semaphore_mem>>)
      %dma_wait3A = tpu.memref_slice %arg6[%arg0, %mul3A_14] : memref<2x10240xf32, #tpu.memory_space<hbm>> -> memref<1x640xf32, #tpu.memory_space<hbm>>
      %dma_wait3A_38 = tpu.memref_squeeze %dma_wait3A : memref<1x640xf32, #tpu.memory_space<hbm>> -> memref<640xf32, #tpu.memory_space<hbm>>
      %dma_wait3A_39 = tpu.memref_slice %arg12[%mul3A_14] : memref<10240xf32, #tpu.memory_space<vmem_shared>> -> memref<640xf32, #tpu.memory_space<vmem_shared>>
      tpu.wait_dma2 semaphore(%run_scoped3A : memref<!tpu.dma_semaphore, #tpu.memory_space<semaphore_mem>>) src(%dma_wait3A_39 : memref<640xf32, #tpu.memory_space<vmem_shared>>) dst(%dma_wait3A_38 : memref<640xf32, #tpu.memory_space<hbm>>)
      tpu.yield
    }) : () -> ()
    return
  }
}

#map = affine_map<(d0, d1) -> (0, 0)>
#map1 = affine_map<(d0, d1) -> (0, 0, 0)>
module attributes {stable_mosaic.version = 14 : i64} {
  func.func @body(%arg0: i32, %arg1: i32, %arg2: memref<10240x128xf32, #tpu.memory_space<hbm>>, %arg3: memref<32x80x128xi32, #tpu.memory_space<hbm>>, %arg4: memref<32x80x128xi32, #tpu.memory_space<hbm>>, %arg5: memref<2x10240x128xf32, #tpu.memory_space<hbm>>, %arg6: memref<80x128xi32, #tpu.memory_space<vmem>>, %arg7: memref<80x128xi32, #tpu.memory_space<vmem>>, %arg8: memref<128x128xf32, #tpu.memory_space<vmem>>, %arg9: memref<640xf32, #tpu.memory_space<vmem>>, %arg10: memref<10240x128xf32, #tpu.memory_space<vmem_shared>>, %arg11: memref<10240xf32, #tpu.memory_space<vmem_shared>>, %arg12: memref<!tpu.dma_semaphore, #tpu.memory_space<semaphore_mem>>) attributes {dimension_semantics = [#tpu.dimension_semantics<core_parallel>, #tpu.dimension_semantics<subcore_parallel>], iteration_bounds = array<i64: 2, 16>, scalar_prefetch = 0 : i64, scratch_operands = 7 : i64, tpu.core_type = #tpu.core_type<sc_vector_subcore>, window_params = [{transform_indices = #map}, {transform_indices = #map1}, {transform_indices = #map1}, {transform_indices = #map1}]} {
    %mul3A = arith.constant 16 : i32
    %mul3A_0 = arith.muli %arg0, %mul3A : i32
    %add3A = arith.addi %mul3A_0, %arg1 : i32
    "tpu.region"() ({
      %run_scoped3A = tpu.sem_alloc : memref<!tpu.dma_semaphore, #tpu.memory_space<semaphore_mem>>
      %dma_start3A = arith.constant 0 : i32
      %dma_start3A_31 = arith.constant 0 : i32
      %dma_start3A_32 = tpu.memref_slice %arg3[%add3A, %dma_start3A, %dma_start3A_31] : memref<32x80x128xi32, #tpu.memory_space<hbm>> -> memref<1x80x128xi32, #tpu.memory_space<hbm>>
      %dma_start3A_33 = tpu.memref_squeeze %dma_start3A_32 : memref<1x80x128xi32, #tpu.memory_space<hbm>> -> memref<80x128xi32, #tpu.memory_space<hbm>>
      %dma_start3A_34 = arith.constant 0 : i32
      %dma_start3A_35 = arith.constant 0 : i32
      %dma_start3A_36 = tpu.memref_slice %arg3[%add3A, %dma_start3A_34, %dma_start3A_35] : memref<32x80x128xi32, #tpu.memory_space<hbm>> -> memref<1x80x128xi32, #tpu.memory_space<hbm>>
      %dma_start3A_37 = tpu.memref_squeeze %dma_start3A_36 : memref<1x80x128xi32, #tpu.memory_space<hbm>> -> memref<80x128xi32, #tpu.memory_space<hbm>>
      tpu.enqueue_dma source(%dma_start3A_37 : memref<80x128xi32, #tpu.memory_space<hbm>>) target(%arg6 : memref<80x128xi32, #tpu.memory_space<vmem>>) target_semaphore(%run_scoped3A : memref<!tpu.dma_semaphore, #tpu.memory_space<semaphore_mem>>)
      %dma_wait3A = arith.constant 0 : i32
      %dma_wait3A_38 = arith.constant 0 : i32
      %dma_wait3A_39 = tpu.memref_slice %arg3[%add3A, %dma_wait3A, %dma_wait3A_38] : memref<32x80x128xi32, #tpu.memory_space<hbm>> -> memref<1x80x128xi32, #tpu.memory_space<hbm>>
      %dma_wait3A_40 = tpu.memref_squeeze %dma_wait3A_39 : memref<1x80x128xi32, #tpu.memory_space<hbm>> -> memref<80x128xi32, #tpu.memory_space<hbm>>
      %dma_wait3A_41 = arith.constant 0 : i32
      %dma_wait3A_42 = arith.constant 0 : i32
      %dma_wait3A_43 = tpu.memref_slice %arg3[%add3A, %dma_wait3A_41, %dma_wait3A_42] : memref<32x80x128xi32, #tpu.memory_space<hbm>> -> memref<1x80x128xi32, #tpu.memory_space<hbm>>
      %dma_wait3A_44 = tpu.memref_squeeze %dma_wait3A_43 : memref<1x80x128xi32, #tpu.memory_space<hbm>> -> memref<80x128xi32, #tpu.memory_space<hbm>>
      tpu.wait_dma2 semaphore(%run_scoped3A : memref<!tpu.dma_semaphore, #tpu.memory_space<semaphore_mem>>) src(%dma_wait3A_44 : memref<80x128xi32, #tpu.memory_space<hbm>>) dst(%arg6 : memref<80x128xi32, #tpu.memory_space<vmem>>)
      tpu.yield
    }) : () -> ()
    "tpu.region"() ({
      %run_scoped3A = tpu.sem_alloc : memref<!tpu.dma_semaphore, #tpu.memory_space<semaphore_mem>>
      %dma_start3A = arith.constant 0 : i32
      %dma_start3A_31 = arith.constant 0 : i32
      %dma_start3A_32 = tpu.memref_slice %arg4[%add3A, %dma_start3A, %dma_start3A_31] : memref<32x80x128xi32, #tpu.memory_space<hbm>> -> memref<1x80x128xi32, #tpu.memory_space<hbm>>
      %dma_start3A_33 = tpu.memref_squeeze %dma_start3A_32 : memref<1x80x128xi32, #tpu.memory_space<hbm>> -> memref<80x128xi32, #tpu.memory_space<hbm>>
      %dma_start3A_34 = arith.constant 0 : i32
      %dma_start3A_35 = arith.constant 0 : i32
      %dma_start3A_36 = tpu.memref_slice %arg4[%add3A, %dma_start3A_34, %dma_start3A_35] : memref<32x80x128xi32, #tpu.memory_space<hbm>> -> memref<1x80x128xi32, #tpu.memory_space<hbm>>
      %dma_start3A_37 = tpu.memref_squeeze %dma_start3A_36 : memref<1x80x128xi32, #tpu.memory_space<hbm>> -> memref<80x128xi32, #tpu.memory_space<hbm>>
      tpu.enqueue_dma source(%dma_start3A_37 : memref<80x128xi32, #tpu.memory_space<hbm>>) target(%arg7 : memref<80x128xi32, #tpu.memory_space<vmem>>) target_semaphore(%run_scoped3A : memref<!tpu.dma_semaphore, #tpu.memory_space<semaphore_mem>>)
      %dma_wait3A = arith.constant 0 : i32
      %dma_wait3A_38 = arith.constant 0 : i32
      %dma_wait3A_39 = tpu.memref_slice %arg4[%add3A, %dma_wait3A, %dma_wait3A_38] : memref<32x80x128xi32, #tpu.memory_space<hbm>> -> memref<1x80x128xi32, #tpu.memory_space<hbm>>
      %dma_wait3A_40 = tpu.memref_squeeze %dma_wait3A_39 : memref<1x80x128xi32, #tpu.memory_space<hbm>> -> memref<80x128xi32, #tpu.memory_space<hbm>>
      %dma_wait3A_41 = arith.constant 0 : i32
      %dma_wait3A_42 = arith.constant 0 : i32
      %dma_wait3A_43 = tpu.memref_slice %arg4[%add3A, %dma_wait3A_41, %dma_wait3A_42] : memref<32x80x128xi32, #tpu.memory_space<hbm>> -> memref<1x80x128xi32, #tpu.memory_space<hbm>>
      %dma_wait3A_44 = tpu.memref_squeeze %dma_wait3A_43 : memref<1x80x128xi32, #tpu.memory_space<hbm>> -> memref<80x128xi32, #tpu.memory_space<hbm>>
      tpu.wait_dma2 semaphore(%run_scoped3A : memref<!tpu.dma_semaphore, #tpu.memory_space<semaphore_mem>>) src(%dma_wait3A_44 : memref<80x128xi32, #tpu.memory_space<hbm>>) dst(%arg7 : memref<80x128xi32, #tpu.memory_space<vmem>>)
      tpu.yield
    }) : () -> ()
    %broadcast_in_dim3A = arith.constant 0.000000e+00 : f32
    %broadcast_in_dim3A_1 = vector.broadcast %broadcast_in_dim3A : f32 to vector<16xf32>
    %broadcast_in_dim3A_2 = arith.constant 1.000000e+00 : f32
    %broadcast_in_dim3A_3 = vector.broadcast %broadcast_in_dim3A_2 : f32 to vector<16xf32>
    %scan3A = arith.constant 0 : i32
    %scan3A_4 = arith.constant 128 : i32
    %scan3A_5 = arith.addi %scan3A, %scan3A_4 : i32
    %scan3A_6 = arith.constant 1 : i32
    scf.for %scan3A_31 = %scan3A to %scan3A_5 step %scan3A_6  : i32 {
      %swap3A = arith.index_cast %scan3A_31 : i32 to index
      %swap3A_32 = arith.constant 0 : index
      %swap3A_33 = tpu.vector_load %arg8[%swap3A, %swap3A_32] {strides = array<i32>} : memref<128x128xf32, #tpu.memory_space<vmem>>, vector<1x16xf32>,
      %swap3A_34 = vector.shape_cast %swap3A_33 : vector<1x16xf32> to vector<16xf32>
      %swap3A_35 = vector.shape_cast %broadcast_in_dim3A_1 : vector<16xf32> to vector<1x16xf32>
      tpu.vector_store %arg8[%swap3A, %swap3A_32], %swap3A_35 {strides = array<i32>} : memref<128x128xf32, #tpu.memory_space<vmem>>, vector<1x16xf32>,
      %swap3A_36 = arith.index_cast %scan3A_31 : i32 to index
      %swap3A_37 = arith.constant 16 : index
      %swap3A_38 = tpu.vector_load %arg8[%swap3A_36, %swap3A_37] {strides = array<i32>} : memref<128x128xf32, #tpu.memory_space<vmem>>, vector<1x16xf32>,
      %swap3A_39 = vector.shape_cast %swap3A_38 : vector<1x16xf32> to vector<16xf32>
      %swap3A_40 = vector.shape_cast %broadcast_in_dim3A_1 : vector<16xf32> to vector<1x16xf32>
      tpu.vector_store %arg8[%swap3A_36, %swap3A_37], %swap3A_40 {strides = array<i32>} : memref<128x128xf32, #tpu.memory_space<vmem>>, vector<1x16xf32>,
      %swap3A_41 = arith.index_cast %scan3A_31 : i32 to index
      %swap3A_42 = arith.constant 32 : index
      %swap3A_43 = tpu.vector_load %arg8[%swap3A_41, %swap3A_42] {strides = array<i32>} : memref<128x128xf32, #tpu.memory_space<vmem>>, vector<1x16xf32>,
      %swap3A_44 = vector.shape_cast %swap3A_43 : vector<1x16xf32> to vector<16xf32>
      %swap3A_45 = vector.shape_cast %broadcast_in_dim3A_1 : vector<16xf32> to vector<1x16xf32>
      tpu.vector_store %arg8[%swap3A_41, %swap3A_42], %swap3A_45 {strides = array<i32>} : memref<128x128xf32, #tpu.memory_space<vmem>>, vector<1x16xf32>,
      %swap3A_46 = arith.index_cast %scan3A_31 : i32 to index
      %swap3A_47 = arith.constant 48 : index
      %swap3A_48 = tpu.vector_load %arg8[%swap3A_46, %swap3A_47] {strides = array<i32>} : memref<128x128xf32, #tpu.memory_space<vmem>>, vector<1x16xf32>,
      %swap3A_49 = vector.shape_cast %swap3A_48 : vector<1x16xf32> to vector<16xf32>
      %swap3A_50 = vector.shape_cast %broadcast_in_dim3A_1 : vector<16xf32> to vector<1x16xf32>
      tpu.vector_store %arg8[%swap3A_46, %swap3A_47], %swap3A_50 {strides = array<i32>} : memref<128x128xf32, #tpu.memory_space<vmem>>, vector<1x16xf32>,
      %swap3A_51 = arith.index_cast %scan3A_31 : i32 to index
      %swap3A_52 = arith.constant 64 : index
      %swap3A_53 = tpu.vector_load %arg8[%swap3A_51, %swap3A_52] {strides = array<i32>} : memref<128x128xf32, #tpu.memory_space<vmem>>, vector<1x16xf32>,
      %swap3A_54 = vector.shape_cast %swap3A_53 : vector<1x16xf32> to vector<16xf32>
      %swap3A_55 = vector.shape_cast %broadcast_in_dim3A_1 : vector<16xf32> to vector<1x16xf32>
      tpu.vector_store %arg8[%swap3A_51, %swap3A_52], %swap3A_55 {strides = array<i32>} : memref<128x128xf32, #tpu.memory_space<vmem>>, vector<1x16xf32>,
      %swap3A_56 = arith.index_cast %scan3A_31 : i32 to index
      %swap3A_57 = arith.constant 80 : index
      %swap3A_58 = tpu.vector_load %arg8[%swap3A_56, %swap3A_57] {strides = array<i32>} : memref<128x128xf32, #tpu.memory_space<vmem>>, vector<1x16xf32>,
      %swap3A_59 = vector.shape_cast %swap3A_58 : vector<1x16xf32> to vector<16xf32>
      %swap3A_60 = vector.shape_cast %broadcast_in_dim3A_1 : vector<16xf32> to vector<1x16xf32>
      tpu.vector_store %arg8[%swap3A_56, %swap3A_57], %swap3A_60 {strides = array<i32>} : memref<128x128xf32, #tpu.memory_space<vmem>>, vector<1x16xf32>,
      %swap3A_61 = arith.index_cast %scan3A_31 : i32 to index
      %swap3A_62 = arith.constant 96 : index
      %swap3A_63 = tpu.vector_load %arg8[%swap3A_61, %swap3A_62] {strides = array<i32>} : memref<128x128xf32, #tpu.memory_space<vmem>>, vector<1x16xf32>,
      %swap3A_64 = vector.shape_cast %swap3A_63 : vector<1x16xf32> to vector<16xf32>
      %swap3A_65 = vector.shape_cast %broadcast_in_dim3A_1 : vector<16xf32> to vector<1x16xf32>
      tpu.vector_store %arg8[%swap3A_61, %swap3A_62], %swap3A_65 {strides = array<i32>} : memref<128x128xf32, #tpu.memory_space<vmem>>, vector<1x16xf32>,
      %swap3A_66 = arith.index_cast %scan3A_31 : i32 to index
      %swap3A_67 = arith.constant 112 : index
      %swap3A_68 = tpu.vector_load %arg8[%swap3A_66, %swap3A_67] {strides = array<i32>} : memref<128x128xf32, #tpu.memory_space<vmem>>, vector<1x16xf32>,
      %swap3A_69 = vector.shape_cast %swap3A_68 : vector<1x16xf32> to vector<16xf32>
      %swap3A_70 = vector.shape_cast %broadcast_in_dim3A_1 : vector<16xf32> to vector<1x16xf32>
      tpu.vector_store %arg8[%swap3A_66, %swap3A_67], %swap3A_70 {strides = array<i32>} : memref<128x128xf32, #tpu.memory_space<vmem>>, vector<1x16xf32>,
    }
    %scan3A_7 = arith.constant 128 : i32
    %scan3A_8 = arith.constant 0 : i32
    %scan3A_9 = arith.constant 40 : i32
    %scan3A_10 = arith.addi %scan3A_8, %scan3A_9 : i32
    %scan3A_11 = arith.constant 1 : i32
    scf.for %scan3A_31 = %scan3A_8 to %scan3A_10 step %scan3A_11  : i32 {
      %mul3A_32 = arith.constant 16 : i32
      %mul3A_33 = arith.muli %scan3A_31, %mul3A_32 : i32
      %swap3A = arith.index_cast %mul3A_33 : i32 to index
      %swap3A_34 = tpu.vector_load %arg9[%swap3A] {strides = array<i32>} : memref<640xf32, #tpu.memory_space<vmem>>, vector<16xf32>,
      %swap3A_35 = vector.shape_cast %swap3A_34 : vector<16xf32> to vector<16xf32>
      %swap3A_36 = vector.shape_cast %broadcast_in_dim3A_1 : vector<16xf32> to vector<16xf32>
      tpu.vector_store %arg9[%swap3A], %swap3A_36 {strides = array<i32>} : memref<640xf32, #tpu.memory_space<vmem>>, vector<16xf32>,
    }
    %scan3A_12 = arith.constant 40 : i32
    %mul3A_13 = arith.constant 640 : i32
    %mul3A_14 = arith.muli %arg1, %mul3A_13 : i32
    "tpu.region"() ({
      %run_scoped3A = tpu.sem_alloc : memref<!tpu.dma_semaphore, #tpu.memory_space<semaphore_mem>>
      %dma_start3A = tpu.memref_slice %arg11[%mul3A_14] : memref<10240xf32, #tpu.memory_space<vmem_shared>> -> memref<640xf32, #tpu.memory_space<vmem_shared>>
      %dma_start3A_31 = tpu.memref_slice %arg11[%mul3A_14] : memref<10240xf32, #tpu.memory_space<vmem_shared>> -> memref<640xf32, #tpu.memory_space<vmem_shared>>
      tpu.enqueue_dma source(%arg9 : memref<640xf32, #tpu.memory_space<vmem>>) target(%dma_start3A_31 : memref<640xf32, #tpu.memory_space<vmem_shared>>) target_semaphore(%run_scoped3A : memref<!tpu.dma_semaphore, #tpu.memory_space<semaphore_mem>>)
      %dma_wait3A = tpu.memref_slice %arg11[%mul3A_14] : memref<10240xf32, #tpu.memory_space<vmem_shared>> -> memref<640xf32, #tpu.memory_space<vmem_shared>>
      %dma_wait3A_32 = tpu.memref_slice %arg11[%mul3A_14] : memref<10240xf32, #tpu.memory_space<vmem_shared>> -> memref<640xf32, #tpu.memory_space<vmem_shared>>
      tpu.wait_dma2 semaphore(%run_scoped3A : memref<!tpu.dma_semaphore, #tpu.memory_space<semaphore_mem>>) src(%arg9 : memref<640xf32, #tpu.memory_space<vmem>>) dst(%dma_wait3A_32 : memref<640xf32, #tpu.memory_space<vmem_shared>>)
      tpu.yield
    }) : () -> ()
    %add3A_15 = arith.constant 0 : i32
    %add3A_16 = arith.addi %mul3A_14, %add3A_15 : i32
    "tpu.region"() ({
      %run_scoped3A = tpu.sem_alloc : memref<!tpu.dma_semaphore, #tpu.memory_space<semaphore_mem>>
      %dma_start3A = arith.constant 0 : i32
      %dma_start3A_31 = tpu.memref_slice %arg10[%add3A_16, %dma_start3A] : memref<10240x128xf32, #tpu.memory_space<vmem_shared>> -> memref<128x128xf32, #tpu.memory_space<vmem_shared>>
      %dma_start3A_32 = arith.constant 0 : i32
      %dma_start3A_33 = tpu.memref_slice %arg10[%add3A_16, %dma_start3A_32] : memref<10240x128xf32, #tpu.memory_space<vmem_shared>> -> memref<128x128xf32, #tpu.memory_space<vmem_shared>>
      tpu.enqueue_dma source(%arg8 : memref<128x128xf32, #tpu.memory_space<vmem>>) target(%dma_start3A_33 : memref<128x128xf32, #tpu.memory_space<vmem_shared>>) target_semaphore(%run_scoped3A : memref<!tpu.dma_semaphore, #tpu.memory_space<semaphore_mem>>)
      %dma_wait3A = arith.constant 0 : i32
      %dma_wait3A_34 = tpu.memref_slice %arg10[%add3A_16, %dma_wait3A] : memref<10240x128xf32, #tpu.memory_space<vmem_shared>> -> memref<128x128xf32, #tpu.memory_space<vmem_shared>>
      %dma_wait3A_35 = arith.constant 0 : i32
      %dma_wait3A_36 = tpu.memref_slice %arg10[%add3A_16, %dma_wait3A_35] : memref<10240x128xf32, #tpu.memory_space<vmem_shared>> -> memref<128x128xf32, #tpu.memory_space<vmem_shared>>
      tpu.wait_dma2 semaphore(%run_scoped3A : memref<!tpu.dma_semaphore, #tpu.memory_space<semaphore_mem>>) src(%arg8 : memref<128x128xf32, #tpu.memory_space<vmem>>) dst(%dma_wait3A_36 : memref<128x128xf32, #tpu.memory_space<vmem_shared>>)
      tpu.yield
    }) : () -> ()
    %add3A_17 = arith.constant 128 : i32
    %add3A_18 = arith.addi %mul3A_14, %add3A_17 : i32
    "tpu.region"() ({
      %run_scoped3A = tpu.sem_alloc : memref<!tpu.dma_semaphore, #tpu.memory_space<semaphore_mem>>
      %dma_start3A = arith.constant 0 : i32
      %dma_start3A_31 = tpu.memref_slice %arg10[%add3A_18, %dma_start3A] : memref<10240x128xf32, #tpu.memory_space<vmem_shared>> -> memref<128x128xf32, #tpu.memory_space<vmem_shared>>
      %dma_start3A_32 = arith.constant 0 : i32
      %dma_start3A_33 = tpu.memref_slice %arg10[%add3A_18, %dma_start3A_32] : memref<10240x128xf32, #tpu.memory_space<vmem_shared>> -> memref<128x128xf32, #tpu.memory_space<vmem_shared>>
      tpu.enqueue_dma source(%arg8 : memref<128x128xf32, #tpu.memory_space<vmem>>) target(%dma_start3A_33 : memref<128x128xf32, #tpu.memory_space<vmem_shared>>) target_semaphore(%run_scoped3A : memref<!tpu.dma_semaphore, #tpu.memory_space<semaphore_mem>>)
      %dma_wait3A = arith.constant 0 : i32
      %dma_wait3A_34 = tpu.memref_slice %arg10[%add3A_18, %dma_wait3A] : memref<10240x128xf32, #tpu.memory_space<vmem_shared>> -> memref<128x128xf32, #tpu.memory_space<vmem_shared>>
      %dma_wait3A_35 = arith.constant 0 : i32
      %dma_wait3A_36 = tpu.memref_slice %arg10[%add3A_18, %dma_wait3A_35] : memref<10240x128xf32, #tpu.memory_space<vmem_shared>> -> memref<128x128xf32, #tpu.memory_space<vmem_shared>>
      tpu.wait_dma2 semaphore(%run_scoped3A : memref<!tpu.dma_semaphore, #tpu.memory_space<semaphore_mem>>) src(%arg8 : memref<128x128xf32, #tpu.memory_space<vmem>>) dst(%dma_wait3A_36 : memref<128x128xf32, #tpu.memory_space<vmem_shared>>)
      tpu.yield
    }) : () -> ()
    %add3A_19 = arith.constant 256 : i32
    %add3A_20 = arith.addi %mul3A_14, %add3A_19 : i32
    "tpu.region"() ({
      %run_scoped3A = tpu.sem_alloc : memref<!tpu.dma_semaphore, #tpu.memory_space<semaphore_mem>>
      %dma_start3A = arith.constant 0 : i32
      %dma_start3A_31 = tpu.memref_slice %arg10[%add3A_20, %dma_start3A] : memref<10240x128xf32, #tpu.memory_space<vmem_shared>> -> memref<128x128xf32, #tpu.memory_space<vmem_shared>>
      %dma_start3A_32 = arith.constant 0 : i32
      %dma_start3A_33 = tpu.memref_slice %arg10[%add3A_20, %dma_start3A_32] : memref<10240x128xf32, #tpu.memory_space<vmem_shared>> -> memref<128x128xf32, #tpu.memory_space<vmem_shared>>
      tpu.enqueue_dma source(%arg8 : memref<128x128xf32, #tpu.memory_space<vmem>>) target(%dma_start3A_33 : memref<128x128xf32, #tpu.memory_space<vmem_shared>>) target_semaphore(%run_scoped3A : memref<!tpu.dma_semaphore, #tpu.memory_space<semaphore_mem>>)
      %dma_wait3A = arith.constant 0 : i32
      %dma_wait3A_34 = tpu.memref_slice %arg10[%add3A_20, %dma_wait3A] : memref<10240x128xf32, #tpu.memory_space<vmem_shared>> -> memref<128x128xf32, #tpu.memory_space<vmem_shared>>
      %dma_wait3A_35 = arith.constant 0 : i32
      %dma_wait3A_36 = tpu.memref_slice %arg10[%add3A_20, %dma_wait3A_35] : memref<10240x128xf32, #tpu.memory_space<vmem_shared>> -> memref<128x128xf32, #tpu.memory_space<vmem_shared>>
      tpu.wait_dma2 semaphore(%run_scoped3A : memref<!tpu.dma_semaphore, #tpu.memory_space<semaphore_mem>>) src(%arg8 : memref<128x128xf32, #tpu.memory_space<vmem>>) dst(%dma_wait3A_36 : memref<128x128xf32, #tpu.memory_space<vmem_shared>>)
      tpu.yield
    }) : () -> ()
    %add3A_21 = arith.constant 384 : i32
    %add3A_22 = arith.addi %mul3A_14, %add3A_21 : i32
    "tpu.region"() ({
      %run_scoped3A = tpu.sem_alloc : memref<!tpu.dma_semaphore, #tpu.memory_space<semaphore_mem>>
      %dma_start3A = arith.constant 0 : i32
      %dma_start3A_31 = tpu.memref_slice %arg10[%add3A_22, %dma_start3A] : memref<10240x128xf32, #tpu.memory_space<vmem_shared>> -> memref<128x128xf32, #tpu.memory_space<vmem_shared>>
      %dma_start3A_32 = arith.constant 0 : i32
      %dma_start3A_33 = tpu.memref_slice %arg10[%add3A_22, %dma_start3A_32] : memref<10240x128xf32, #tpu.memory_space<vmem_shared>> -> memref<128x128xf32, #tpu.memory_space<vmem_shared>>
      tpu.enqueue_dma source(%arg8 : memref<128x128xf32, #tpu.memory_space<vmem>>) target(%dma_start3A_33 : memref<128x128xf32, #tpu.memory_space<vmem_shared>>) target_semaphore(%run_scoped3A : memref<!tpu.dma_semaphore, #tpu.memory_space<semaphore_mem>>)
      %dma_wait3A = arith.constant 0 : i32
      %dma_wait3A_34 = tpu.memref_slice %arg10[%add3A_22, %dma_wait3A] : memref<10240x128xf32, #tpu.memory_space<vmem_shared>> -> memref<128x128xf32, #tpu.memory_space<vmem_shared>>
      %dma_wait3A_35 = arith.constant 0 : i32
      %dma_wait3A_36 = tpu.memref_slice %arg10[%add3A_22, %dma_wait3A_35] : memref<10240x128xf32, #tpu.memory_space<vmem_shared>> -> memref<128x128xf32, #tpu.memory_space<vmem_shared>>
      tpu.wait_dma2 semaphore(%run_scoped3A : memref<!tpu.dma_semaphore, #tpu.memory_space<semaphore_mem>>) src(%arg8 : memref<128x128xf32, #tpu.memory_space<vmem>>) dst(%dma_wait3A_36 : memref<128x128xf32, #tpu.memory_space<vmem_shared>>)
      tpu.yield
    }) : () -> ()
    %add3A_23 = arith.constant 512 : i32
    %add3A_24 = arith.addi %mul3A_14, %add3A_23 : i32
    "tpu.region"() ({
      %run_scoped3A = tpu.sem_alloc : memref<!tpu.dma_semaphore, #tpu.memory_space<semaphore_mem>>
      %dma_start3A = arith.constant 0 : i32
      %dma_start3A_31 = tpu.memref_slice %arg10[%add3A_24, %dma_start3A] : memref<10240x128xf32, #tpu.memory_space<vmem_shared>> -> memref<128x128xf32, #tpu.memory_space<vmem_shared>>
      %dma_start3A_32 = arith.constant 0 : i32
      %dma_start3A_33 = tpu.memref_slice %arg10[%add3A_24, %dma_start3A_32] : memref<10240x128xf32, #tpu.memory_space<vmem_shared>> -> memref<128x128xf32, #tpu.memory_space<vmem_shared>>
      tpu.enqueue_dma source(%arg8 : memref<128x128xf32, #tpu.memory_space<vmem>>) target(%dma_start3A_33 : memref<128x128xf32, #tpu.memory_space<vmem_shared>>) target_semaphore(%run_scoped3A : memref<!tpu.dma_semaphore, #tpu.memory_space<semaphore_mem>>)
      %dma_wait3A = arith.constant 0 : i32
      %dma_wait3A_34 = tpu.memref_slice %arg10[%add3A_24, %dma_wait3A] : memref<10240x128xf32, #tpu.memory_space<vmem_shared>> -> memref<128x128xf32, #tpu.memory_space<vmem_shared>>
      %dma_wait3A_35 = arith.constant 0 : i32
      %dma_wait3A_36 = tpu.memref_slice %arg10[%add3A_24, %dma_wait3A_35] : memref<10240x128xf32, #tpu.memory_space<vmem_shared>> -> memref<128x128xf32, #tpu.memory_space<vmem_shared>>
      tpu.wait_dma2 semaphore(%run_scoped3A : memref<!tpu.dma_semaphore, #tpu.memory_space<semaphore_mem>>) src(%arg8 : memref<128x128xf32, #tpu.memory_space<vmem>>) dst(%dma_wait3A_36 : memref<128x128xf32, #tpu.memory_space<vmem_shared>>)
      tpu.yield
    }) : () -> ()
    %barrier3A = arith.constant 0 : index
    tpu.barrier barrier_id(%barrier3A)
    %scan3A_25 = arith.constant 0 : i32
    %scan3A_26 = arith.constant 80 : i32
    %scan3A_27 = arith.addi %scan3A_25, %scan3A_26 : i32
    %scan3A_28 = arith.constant 1 : i32
    scf.for %scan3A_31 = %scan3A_25 to %scan3A_27 step %scan3A_28  : i32 {
      %dma_start3A = arith.constant 0 : i32
      %dma_start3A_32 = tpu.memref_slice %arg6[%scan3A_31, %dma_start3A] : memref<80x128xi32, #tpu.memory_space<vmem>> -> memref<1x128xi32, #tpu.memory_space<vmem>>
      %dma_start3A_33 = tpu.memref_squeeze %dma_start3A_32 : memref<1x128xi32, #tpu.memory_space<vmem>> -> memref<128xi32, #tpu.memory_space<vmem>>
      %dma_start3A_34 = arith.constant 0 : i32
      %dma_start3A_35 = arith.constant 0 : i32
      %dma_start3A_36 = tpu.memref_slice %arg2[%dma_start3A_34, %dma_start3A_35] : memref<10240x128xf32, #tpu.memory_space<hbm>> -> memref<10240x128xf32, #tpu.memory_space<hbm>>
      tpu.enqueue_indirect_dma source(%dma_start3A_36 : memref<10240x128xf32, #tpu.memory_space<hbm>>) target(%arg8 : memref<128x128xf32, #tpu.memory_space<vmem>>) offsets(%dma_start3A_33 : memref<128xi32, #tpu.memory_space<vmem>>) semaphore(%arg12 : memref<!tpu.dma_semaphore, #tpu.memory_space<semaphore_mem>>)
      %dma_wait3A = arith.constant 0 : i32
      %dma_wait3A_37 = tpu.memref_slice %arg6[%scan3A_31, %dma_wait3A] : memref<80x128xi32, #tpu.memory_space<vmem>> -> memref<1x128xi32, #tpu.memory_space<vmem>>
      %dma_wait3A_38 = tpu.memref_squeeze %dma_wait3A_37 : memref<1x128xi32, #tpu.memory_space<vmem>> -> memref<128xi32, #tpu.memory_space<vmem>>
      %dma_wait3A_39 = arith.constant 0 : i32
      %dma_wait3A_40 = arith.constant 0 : i32
      %dma_wait3A_41 = tpu.memref_slice %arg2[%dma_wait3A_39, %dma_wait3A_40] : memref<10240x128xf32, #tpu.memory_space<hbm>> -> memref<10240x128xf32, #tpu.memory_space<hbm>>
      tpu.wait_indirect_dma semaphore(%arg12 : memref<!tpu.dma_semaphore, #tpu.memory_space<semaphore_mem>>) src(%dma_wait3A_41 : memref<10240x128xf32, #tpu.memory_space<hbm>>) dst(%arg8 : memref<128x128xf32, #tpu.memory_space<vmem>>)
      "tpu.region"() ({
        %run_scoped3A = tpu.sem_alloc : memref<!tpu.dma_semaphore, #tpu.memory_space<semaphore_mem>>
        %dma_start3A_42 = arith.constant 0 : i32
        %dma_start3A_43 = tpu.memref_slice %arg7[%scan3A_31, %dma_start3A_42] : memref<80x128xi32, #tpu.memory_space<vmem>> -> memref<1x128xi32, #tpu.memory_space<vmem>>
        %dma_start3A_44 = tpu.memref_squeeze %dma_start3A_43 : memref<1x128xi32, #tpu.memory_space<vmem>> -> memref<128xi32, #tpu.memory_space<vmem>>
        %dma_start3A_45 = arith.constant 0 : i32
        %dma_start3A_46 = arith.constant 0 : i32
        %dma_start3A_47 = tpu.memref_slice %arg10[%dma_start3A_45, %dma_start3A_46] : memref<10240x128xf32, #tpu.memory_space<vmem_shared>> -> memref<10240x128xf32, #tpu.memory_space<vmem_shared>>
        tpu.enqueue_indirect_dma source(%arg8 : memref<128x128xf32, #tpu.memory_space<vmem>>) target(%dma_start3A_47 : memref<10240x128xf32, #tpu.memory_space<vmem_shared>>) offsets(%dma_start3A_44 : memref<128xi32, #tpu.memory_space<vmem>>) semaphore(%run_scoped3A : memref<!tpu.dma_semaphore, #tpu.memory_space<semaphore_mem>>) {add = true}
        %dma_wait3A_48 = arith.constant 0 : i32
        %dma_wait3A_49 = tpu.memref_slice %arg7[%scan3A_31, %dma_wait3A_48] : memref<80x128xi32, #tpu.memory_space<vmem>> -> memref<1x128xi32, #tpu.memory_space<vmem>>
        %dma_wait3A_50 = tpu.memref_squeeze %dma_wait3A_49 : memref<1x128xi32, #tpu.memory_space<vmem>> -> memref<128xi32, #tpu.memory_space<vmem>>
        %dma_wait3A_51 = arith.constant 0 : i32
        %dma_wait3A_52 = arith.constant 0 : i32
        %dma_wait3A_53 = tpu.memref_slice %arg10[%dma_wait3A_51, %dma_wait3A_52] : memref<10240x128xf32, #tpu.memory_space<vmem_shared>> -> memref<10240x128xf32, #tpu.memory_space<vmem_shared>>
        tpu.wait_indirect_dma semaphore(%run_scoped3A : memref<!tpu.dma_semaphore, #tpu.memory_space<semaphore_mem>>) src(%arg8 : memref<128x128xf32, #tpu.memory_space<vmem>>) dst(%dma_wait3A_53 : memref<10240x128xf32, #tpu.memory_space<vmem_shared>>)
        tpu.yield
      }) : () -> ()
    }
    %scan3A_29 = arith.constant 80 : i32
    %barrier3A_30 = arith.constant 0 : index
    tpu.barrier barrier_id(%barrier3A_30)
    "tpu.region"() ({
      %run_scoped3A = tpu.sem_alloc : memref<!tpu.dma_semaphore, #tpu.memory_space<semaphore_mem>>
      %dma_start3A = arith.constant 0 : i32
      %dma_start3A_31 = tpu.memref_slice %arg5[%arg0, %mul3A_14, %dma_start3A] : memref<2x10240x128xf32, #tpu.memory_space<hbm>> -> memref<1x640x128xf32, #tpu.memory_space<hbm>>
      %dma_start3A_32 = tpu.memref_squeeze %dma_start3A_31 : memref<1x640x128xf32, #tpu.memory_space<hbm>> -> memref<640x128xf32, #tpu.memory_space<hbm>>
      %dma_start3A_33 = arith.constant 0 : i32
      %dma_start3A_34 = tpu.memref_slice %arg10[%mul3A_14, %dma_start3A_33] : memref<10240x128xf32, #tpu.memory_space<vmem_shared>> -> memref<640x128xf32, #tpu.memory_space<vmem_shared>>
      tpu.enqueue_dma source(%dma_start3A_34 : memref<640x128xf32, #tpu.memory_space<vmem_shared>>) target(%dma_start3A_32 : memref<640x128xf32, #tpu.memory_space<hbm>>) target_semaphore(%run_scoped3A : memref<!tpu.dma_semaphore, #tpu.memory_space<semaphore_mem>>)
      %dma_wait3A = arith.constant 0 : i32
      %dma_wait3A_35 = tpu.memref_slice %arg5[%arg0, %mul3A_14, %dma_wait3A] : memref<2x10240x128xf32, #tpu.memory_space<hbm>> -> memref<1x640x128xf32, #tpu.memory_space<hbm>>
      %dma_wait3A_36 = tpu.memref_squeeze %dma_wait3A_35 : memref<1x640x128xf32, #tpu.memory_space<hbm>> -> memref<640x128xf32, #tpu.memory_space<hbm>>
      %dma_wait3A_37 = arith.constant 0 : i32
      %dma_wait3A_38 = tpu.memref_slice %arg10[%mul3A_14, %dma_wait3A_37] : memref<10240x128xf32, #tpu.memory_space<vmem_shared>> -> memref<640x128xf32, #tpu.memory_space<vmem_shared>>
      tpu.wait_dma2 semaphore(%run_scoped3A : memref<!tpu.dma_semaphore, #tpu.memory_space<semaphore_mem>>) src(%dma_wait3A_38 : memref<640x128xf32, #tpu.memory_space<vmem_shared>>) dst(%dma_wait3A_36 : memref<640x128xf32, #tpu.memory_space<hbm>>)
      tpu.yield
    }) : () -> ()
    return
  }
}

module attributes {stable_mosaic.version = 14 : i64} {
  func.func @_dense_body(%arg0: i32, %arg1: memref<2x2048x128xf32, #tpu.memory_space<vmem>>, %arg2: memref<2x2048x1xf32, #tpu.memory_space<vmem>>, %arg3: memref<2048x128xf32, #tpu.memory_space<vmem>>, %arg4: memref<128x128xf32, #tpu.memory_space<vmem>>, %arg5: memref<128x128xf32, #tpu.memory_space<vmem>>, %arg6: memref<1x128xf32, #tpu.memory_space<vmem>>, %arg7: memref<2048x128xf32, #tpu.memory_space<vmem>>) attributes {dimension_semantics = [#tpu.dimension_semantics<arbitrary>], iteration_bounds = array<i64: 5>, scalar_prefetch = 0 : i64, scratch_operands = 0 : i64, tpu.core_type = #tpu.core_type<tc>, window_params = [{transform_indices = @transform_0, window_bounds = array<i64: 2, 2048, 128>}, {transform_indices = @transform_1, window_bounds = array<i64: 2, 2048, 1>}, {transform_indices = @transform_2, window_bounds = array<i64: 2048, 128>}, {pipeline_mode = #tpu.pipeline_mode<synchronous>, transform_indices = @transform_3, window_bounds = array<i64: 128, 128>}, {pipeline_mode = #tpu.pipeline_mode<synchronous>, transform_indices = @transform_4, window_bounds = array<i64: 128, 128>}, {pipeline_mode = #tpu.pipeline_mode<synchronous>, transform_indices = @transform_5, window_bounds = array<i64: 1, 128>}, {transform_indices = @transform_6, window_bounds = array<i64: 2048, 128>}]} {
    %get3A = arith.constant 0 : index
    %get3A_0 = arith.constant 0 : index
    %get3A_1 = arith.constant 0 : index
    %get3A_2 = vector.load %arg1[%get3A, %get3A_0, %get3A_1] : memref<2x2048x128xf32, #tpu.memory_space<vmem>>, vector<1x2048x128xf32>
    %get3A_3 = vector.shape_cast %get3A_2 : vector<1x2048x128xf32> to vector<2048x128xf32>
    %get3A_4 = arith.constant 1 : index
    %get3A_5 = arith.constant 0 : index
    %get3A_6 = arith.constant 0 : index
    %get3A_7 = vector.load %arg1[%get3A_4, %get3A_5, %get3A_6] : memref<2x2048x128xf32, #tpu.memory_space<vmem>>, vector<1x2048x128xf32>
    %get3A_8 = vector.shape_cast %get3A_7 : vector<1x2048x128xf32> to vector<2048x128xf32>
    %add3A = arith.addf %get3A_3, %get3A_8 : vector<2048x128xf32>
    %get3A_9 = arith.constant 0 : index
    %get3A_10 = arith.constant 0 : index
    %get3A_11 = arith.constant 0 : index
    %get3A_12 = vector.load %arg2[%get3A_9, %get3A_10, %get3A_11] : memref<2x2048x1xf32, #tpu.memory_space<vmem>>, vector<1x2048x1xf32>
    %get3A_13 = vector.shape_cast %get3A_12 : vector<1x2048x1xf32> to vector<2048x1xf32>
    %get3A_14 = arith.constant 1 : index
    %get3A_15 = arith.constant 0 : index
    %get3A_16 = arith.constant 0 : index
    %get3A_17 = vector.load %arg2[%get3A_14, %get3A_15, %get3A_16] : memref<2x2048x1xf32, #tpu.memory_space<vmem>>, vector<1x2048x1xf32>
    %get3A_18 = vector.shape_cast %get3A_17 : vector<1x2048x1xf32> to vector<2048x1xf32>
    %add3A_19 = arith.addf %get3A_13, %get3A_18 : vector<2048x1xf32>
    %max3A = arith.constant 1.000000e+00 : f32
    %max3A_20 = vector.broadcast %max3A : f32 to vector<2048x1xf32>
    %max3A_21 = arith.maximumf %add3A_19, %max3A_20 : vector<2048x1xf32>
    %div3A = vector.broadcast %max3A_21 : vector<2048x1xf32> to vector<2048x128xf32>
    %div3A_22 = arith.divf %add3A, %div3A : vector<2048x128xf32>
    %get3A_23 = arith.constant 0 : index
    %get3A_24 = arith.constant 0 : index
    %get3A_25 = vector.load %arg4[%get3A_23, %get3A_24] : memref<128x128xf32, #tpu.memory_space<vmem>>, vector<128x128xf32>
    %dot_general3A = arith.constant dense<0.000000e+00> : vector<2048x128xf32>
    %dot_general3A_26 = tpu.matmul %div3A_22, %get3A_25, %dot_general3A {dimension_numbers = #tpu.dot_dimension_numbers<[1], [0], [0], [1], [0, 0, 1, 1], [], []>, transpose_lhs_hint = false} : vector<2048x128xf32>, vector<128x128xf32>, vector<2048x128xf32> -> vector<2048x128xf32>
    %get3A_27 = arith.constant 0 : index
    %get3A_28 = arith.constant 0 : index
    %get3A_29 = vector.load %arg3[%get3A_27, %get3A_28] : memref<2048x128xf32, #tpu.memory_space<vmem>>, vector<2048x128xf32>
    %get3A_30 = arith.constant 0 : index
    %get3A_31 = arith.constant 0 : index
    %get3A_32 = vector.load %arg5[%get3A_30, %get3A_31] : memref<128x128xf32, #tpu.memory_space<vmem>>, vector<128x128xf32>
    %dot_general3A_33 = arith.constant dense<0.000000e+00> : vector<2048x128xf32>
    %dot_general3A_34 = tpu.matmul %get3A_29, %get3A_32, %dot_general3A_33 {dimension_numbers = #tpu.dot_dimension_numbers<[1], [0], [0], [1], [0, 0, 1, 1], [], []>, transpose_lhs_hint = false} : vector<2048x128xf32>, vector<128x128xf32>, vector<2048x128xf32> -> vector<2048x128xf32>
    %add3A_35 = arith.addf %dot_general3A_26, %dot_general3A_34 : vector<2048x128xf32>
    %get3A_36 = arith.constant 0 : index
    %get3A_37 = arith.constant 0 : index
    %get3A_38 = vector.load %arg6[%get3A_36, %get3A_37] : memref<1x128xf32, #tpu.memory_space<vmem>>, vector<1x128xf32>
    %add3A_39 = vector.broadcast %get3A_38 : vector<1x128xf32> to vector<2048x128xf32>
    %add3A_40 = arith.addf %add3A_35, %add3A_39 : vector<2048x128xf32>
    %max3A_41 = arith.constant 0.000000e+00 : f32
    %max3A_42 = vector.broadcast %max3A_41 : f32 to vector<2048x128xf32>
    %max3A_43 = arith.maximumf %add3A_40, %max3A_42 : vector<2048x128xf32>
    %swap3A = arith.constant 0 : index
    %swap3A_44 = arith.constant 0 : index
    %swap3A_45 = vector.load %arg7[%swap3A, %swap3A_44] : memref<2048x128xf32, #tpu.memory_space<vmem>>, vector<2048x128xf32>
    tpu.vector_store %arg7[%swap3A, %swap3A_44], %max3A_43 {strides = array<i32>} : memref<2048x128xf32, #tpu.memory_space<vmem>>, vector<2048x128xf32>,
    return
  }
  func.func @transform_0(%arg0: i32) -> (i32, i32, i32) {
    %c0_i32 = arith.constant 0 : i32
    %c0_i32_0 = arith.constant 0 : i32
    %c0_i32_1 = arith.constant 0 : i32
    return %c0_i32, %arg0, %c0_i32_0 : i32, i32, i32
  }
  func.func @transform_1(%arg0: i32) -> (i32, i32, i32) {
    %c0_i32 = arith.constant 0 : i32
    %c0_i32_0 = arith.constant 0 : i32
    %c0_i32_1 = arith.constant 0 : i32
    return %c0_i32, %arg0, %c0_i32_0 : i32, i32, i32
  }
  func.func @transform_2(%arg0: i32) -> (i32, i32) {
    %c0_i32 = arith.constant 0 : i32
    %c0_i32_0 = arith.constant 0 : i32
    return %arg0, %c0_i32 : i32, i32
  }
  func.func @transform_3(%arg0: i32) -> (i32, i32) {
    %c0_i32 = arith.constant 0 : i32
    %c0_i32_0 = arith.constant 0 : i32
    %c0_i32_1 = arith.constant 0 : i32
    return %c0_i32, %c0_i32_0 : i32, i32
  }
  func.func @transform_4(%arg0: i32) -> (i32, i32) {
    %c0_i32 = arith.constant 0 : i32
    %c0_i32_0 = arith.constant 0 : i32
    %c0_i32_1 = arith.constant 0 : i32
    return %c0_i32, %c0_i32_0 : i32, i32
  }
  func.func @transform_5(%arg0: i32) -> (i32, i32) {
    %c0_i32 = arith.constant 0 : i32
    %c0_i32_0 = arith.constant 0 : i32
    %c0_i32_1 = arith.constant 0 : i32
    return %c0_i32, %c0_i32_0 : i32, i32
  }
  func.func @transform_6(%arg0: i32) -> (i32, i32) {
    %c0_i32 = arith.constant 0 : i32
    %c0_i32_0 = arith.constant 0 : i32
    return %arg0, %c0_i32 : i32, i32
  }
}

module attributes {stable_mosaic.version = 14 : i64} {
  func.func @_dense_body(%arg0: i32, %arg1: memref<2x2048x128xf32, #tpu.memory_space<vmem>>, %arg2: memref<2x2048x1xf32, #tpu.memory_space<vmem>>, %arg3: memref<2048x128xf32, #tpu.memory_space<vmem>>, %arg4: memref<128x128xf32, #tpu.memory_space<vmem>>, %arg5: memref<128x128xf32, #tpu.memory_space<vmem>>, %arg6: memref<1x128xf32, #tpu.memory_space<vmem>>, %arg7: memref<2048x128xf32, #tpu.memory_space<vmem>>) attributes {dimension_semantics = [#tpu.dimension_semantics<arbitrary>], iteration_bounds = array<i64: 5>, scalar_prefetch = 0 : i64, scratch_operands = 0 : i64, tpu.core_type = #tpu.core_type<tc>, window_params = [{transform_indices = @transform_0, window_bounds = array<i64: 2, 2048, 128>}, {transform_indices = @transform_1, window_bounds = array<i64: 2, 2048, 1>}, {transform_indices = @transform_2, window_bounds = array<i64: 2048, 128>}, {pipeline_mode = #tpu.pipeline_mode<synchronous>, transform_indices = @transform_3, window_bounds = array<i64: 128, 128>}, {pipeline_mode = #tpu.pipeline_mode<synchronous>, transform_indices = @transform_4, window_bounds = array<i64: 128, 128>}, {pipeline_mode = #tpu.pipeline_mode<synchronous>, transform_indices = @transform_5, window_bounds = array<i64: 1, 128>}, {transform_indices = @transform_6, window_bounds = array<i64: 2048, 128>}]} {
    %get3A = arith.constant 0 : index
    %get3A_0 = arith.constant 0 : index
    %get3A_1 = arith.constant 0 : index
    %get3A_2 = vector.load %arg1[%get3A, %get3A_0, %get3A_1] : memref<2x2048x128xf32, #tpu.memory_space<vmem>>, vector<1x2048x128xf32>
    %get3A_3 = vector.shape_cast %get3A_2 : vector<1x2048x128xf32> to vector<2048x128xf32>
    %get3A_4 = arith.constant 1 : index
    %get3A_5 = arith.constant 0 : index
    %get3A_6 = arith.constant 0 : index
    %get3A_7 = vector.load %arg1[%get3A_4, %get3A_5, %get3A_6] : memref<2x2048x128xf32, #tpu.memory_space<vmem>>, vector<1x2048x128xf32>
    %get3A_8 = vector.shape_cast %get3A_7 : vector<1x2048x128xf32> to vector<2048x128xf32>
    %add3A = arith.addf %get3A_3, %get3A_8 : vector<2048x128xf32>
    %get3A_9 = arith.constant 0 : index
    %get3A_10 = arith.constant 0 : index
    %get3A_11 = arith.constant 0 : index
    %get3A_12 = vector.load %arg2[%get3A_9, %get3A_10, %get3A_11] : memref<2x2048x1xf32, #tpu.memory_space<vmem>>, vector<1x2048x1xf32>
    %get3A_13 = vector.shape_cast %get3A_12 : vector<1x2048x1xf32> to vector<2048x1xf32>
    %get3A_14 = arith.constant 1 : index
    %get3A_15 = arith.constant 0 : index
    %get3A_16 = arith.constant 0 : index
    %get3A_17 = vector.load %arg2[%get3A_14, %get3A_15, %get3A_16] : memref<2x2048x1xf32, #tpu.memory_space<vmem>>, vector<1x2048x1xf32>
    %get3A_18 = vector.shape_cast %get3A_17 : vector<1x2048x1xf32> to vector<2048x1xf32>
    %add3A_19 = arith.addf %get3A_13, %get3A_18 : vector<2048x1xf32>
    %max3A = arith.constant 1.000000e+00 : f32
    %max3A_20 = vector.broadcast %max3A : f32 to vector<2048x1xf32>
    %max3A_21 = arith.maximumf %add3A_19, %max3A_20 : vector<2048x1xf32>
    %div3A = vector.broadcast %max3A_21 : vector<2048x1xf32> to vector<2048x128xf32>
    %div3A_22 = arith.divf %add3A, %div3A : vector<2048x128xf32>
    %get3A_23 = arith.constant 0 : index
    %get3A_24 = arith.constant 0 : index
    %get3A_25 = vector.load %arg4[%get3A_23, %get3A_24] : memref<128x128xf32, #tpu.memory_space<vmem>>, vector<128x128xf32>
    %dot_general3A = arith.constant dense<0.000000e+00> : vector<2048x128xf32>
    %dot_general3A_26 = tpu.matmul %div3A_22, %get3A_25, %dot_general3A {dimension_numbers = #tpu.dot_dimension_numbers<[1], [0], [0], [1], [0, 0, 1, 1], [], []>, transpose_lhs_hint = false} : vector<2048x128xf32>, vector<128x128xf32>, vector<2048x128xf32> -> vector<2048x128xf32>
    %get3A_27 = arith.constant 0 : index
    %get3A_28 = arith.constant 0 : index
    %get3A_29 = vector.load %arg3[%get3A_27, %get3A_28] : memref<2048x128xf32, #tpu.memory_space<vmem>>, vector<2048x128xf32>
    %get3A_30 = arith.constant 0 : index
    %get3A_31 = arith.constant 0 : index
    %get3A_32 = vector.load %arg5[%get3A_30, %get3A_31] : memref<128x128xf32, #tpu.memory_space<vmem>>, vector<128x128xf32>
    %dot_general3A_33 = arith.constant dense<0.000000e+00> : vector<2048x128xf32>
    %dot_general3A_34 = tpu.matmul %get3A_29, %get3A_32, %dot_general3A_33 {dimension_numbers = #tpu.dot_dimension_numbers<[1], [0], [0], [1], [0, 0, 1, 1], [], []>, transpose_lhs_hint = false} : vector<2048x128xf32>, vector<128x128xf32>, vector<2048x128xf32> -> vector<2048x128xf32>
    %add3A_35 = arith.addf %dot_general3A_26, %dot_general3A_34 : vector<2048x128xf32>
    %get3A_36 = arith.constant 0 : index
    %get3A_37 = arith.constant 0 : index
    %get3A_38 = vector.load %arg6[%get3A_36, %get3A_37] : memref<1x128xf32, #tpu.memory_space<vmem>>, vector<1x128xf32>
    %add3A_39 = vector.broadcast %get3A_38 : vector<1x128xf32> to vector<2048x128xf32>
    %add3A_40 = arith.addf %add3A_35, %add3A_39 : vector<2048x128xf32>
    %swap3A = arith.constant 0 : index
    %swap3A_41 = arith.constant 0 : index
    %swap3A_42 = vector.load %arg7[%swap3A, %swap3A_41] : memref<2048x128xf32, #tpu.memory_space<vmem>>, vector<2048x128xf32>
    tpu.vector_store %arg7[%swap3A, %swap3A_41], %add3A_40 {strides = array<i32>} : memref<2048x128xf32, #tpu.memory_space<vmem>>, vector<2048x128xf32>,
    return
  }
  func.func @transform_0(%arg0: i32) -> (i32, i32, i32) {
    %c0_i32 = arith.constant 0 : i32
    %c0_i32_0 = arith.constant 0 : i32
    %c0_i32_1 = arith.constant 0 : i32
    return %c0_i32, %arg0, %c0_i32_0 : i32, i32, i32
  }
  func.func @transform_1(%arg0: i32) -> (i32, i32, i32) {
    %c0_i32 = arith.constant 0 : i32
    %c0_i32_0 = arith.constant 0 : i32
    %c0_i32_1 = arith.constant 0 : i32
    return %c0_i32, %arg0, %c0_i32_0 : i32, i32, i32
  }
  func.func @transform_2(%arg0: i32) -> (i32, i32) {
    %c0_i32 = arith.constant 0 : i32
    %c0_i32_0 = arith.constant 0 : i32
    return %arg0, %c0_i32 : i32, i32
  }
  func.func @transform_3(%arg0: i32) -> (i32, i32) {
    %c0_i32 = arith.constant 0 : i32
    %c0_i32_0 = arith.constant 0 : i32
    %c0_i32_1 = arith.constant 0 : i32
    return %c0_i32, %c0_i32_0 : i32, i32
  }
  func.func @transform_4(%arg0: i32) -> (i32, i32) {
    %c0_i32 = arith.constant 0 : i32
    %c0_i32_0 = arith.constant 0 : i32
    %c0_i32_1 = arith.constant 0 : i32
    return %c0_i32, %c0_i32_0 : i32, i32
  }
  func.func @transform_5(%arg0: i32) -> (i32, i32) {
    %c0_i32 = arith.constant 0 : i32
    %c0_i32_0 = arith.constant 0 : i32
    %c0_i32_1 = arith.constant 0 : i32
    return %c0_i32, %c0_i32_0 : i32, i32
  }
  func.func @transform_6(%arg0: i32) -> (i32, i32) {
    %c0_i32 = arith.constant 0 : i32
    %c0_i32_0 = arith.constant 0 : i32
    return %arg0, %c0_i32 : i32, i32
  }
}

</mosaic_0001>

<sc_bundles>
// kernel: kernel.6.cloned.1.call-start
scs
__scs_entry_jumppad:
0x0: {  	(pc) =	sbr.rel $0x88, $3  }
0x1: {  	(tag) =	ssettag $0x0;
	lr =	simm.s32 $0x1  }
0x2: {  	[smem:$0x3F99] =	sst lr;
	_ =	strace $0xD0000000  }
0x3: {  	_ = 	snop  }
0x4: {  	_ = 	snop  }
0x5: {  	_ = 	snop  }
0x6: {  	_ = 	snop  }
0x7: {  	_ = 	snop  }
__scs_overlays_trampoline_lowered:
0x8: {  	[smem:$0x3FA8] =	sst s0  }
0x9: {  	[smem:$0x3FA9] =	sst s1  }
0xa: {  	[smem:$0x3FAA] =	sst s2  }
0xb: {  	[smem:$0x3FAB] =	sst s3  }
0xc: {  	[smem:$0x3FAC] =	sst s4  }
0xd: {  	[smem:$0x3FAD] =	sst s5  }
0xe: {  	[smem:$0x3FAE] =	sst s6  }
0xf: {  	[smem:$0x3FAF] =	sst s7  }
0x10: {  	[smem:$0x3FB0] =	sst s8  }
0x11: {  	[smem:$0x3FB1] =	sst s9;
	s0 =	simm.s32 @!p0 $0x0  }
0x12: {  	s1 =	sld [smem:$0x3F97];
	s0 =	simm.s32 @p0 $0x1  }
0x13: {  	[smem:$0x3FB2] =	sst s0;
	s0 =	simm.s32 @!p1 $0x0  }
0x14: {  	s2 =	sld [smem:$0x3F96];
	s0 =	simm.s32 @p1 $0x1  }
0x15: {  	[smem:$0x3FB3] =	sst s0;
	s0 =	simm.s32 @!p2 $0x0  }
0x16: {  	s3 =	sld [smem:$0x3FDB];
	s0 =	simm.s32 @p2 $0x1  }
0x17: {  	s4 =	simm.s32 $0x1BF5;
	[smem:$0x3FB5] =	sst s0  }
0x18: {  	s0 =	sld [smem:$0x3F98];
	_ =	swait.ge [sflag:s4], $0x0  }
0x19: {  	s7 =	sld [smem:$0x3F99]  }
0x1a: {  	s8 =	sadd.s32 $0xFFFFE003, lr  }
0x1b: {  	s9 =	sadd.s32 $0xFFFFFEF7, lr;
	s5 =	simm.s32 $0xFFFFFFFF;
	p2 =	slt.u32 s8, $0xFFFFF086  }
0x1c: {  	p1 =	slt.u32 s9, $0xF7A;
	s5 =	simm.s32 @!p2 $0x0  }
0x1d: {  	s5 =	simm.s32 @p1 $0x1;
	p0 =	seq.s32 s7, s2  }
0x1e: {  	s7 =	smul.u32 @!p0 $0xF7A, s2;
	p2 =	seq.s32 @!p0 s5, $0x0  }
0x1f: {  	s9 =	smul.u32 $0xF7A, s1;
	s8 =	simm.s32 @!p0 $0x1BF5;
	p2 =	por !p2, p0  }
0x20: {  	[sflag:s8] =	ssyncset.s32 @!p0 $0xFFFFF086;
	s6 =	sadd.s32 @!p0 s3, s7;
	s7 =	simm.s32 @!p0 $0x108  }
0x21: {  	s3 =	sadd.s32 s3, s9;
	s6 =	sadd.s32 @!p0 $0x88, s6;
	s7 =	simm.s32 @p2 $0x1082  }
0x22: {  	[simem:s7], [sflag:s8] =	dma.local @!p0 [hbm:s6], $0xF7A  }
0x23: {  	s9 =	sor.u32 $0xD0000000, s2;
	s6 =	simm.s32 $0x108;
	_ =	swait.ge @!p0 [sflag:s8], $0x0  }
0x24: {  	s3 =	sadd.s32 $0x88, s3;
	s6 =	simm.s32 @!p1 $0x1082;
	[sflag:s4] =	ssyncset.s32 $0xFFFFF086  }
0x25: {  	[simem:s6], [sflag:s4] =	dma.local [hbm:s3], $0xF7A  }
0x26: {  	[smem:$0x3F99] =	sst s1;
	(tag) =	ssettag s2;
	_ =	strace s9  }
0x27: {  	s1 =	sld [smem:$0x3FA9]  }
0x28: {  	s2 =	sld [smem:$0x3FAA]  }
0x29: {  	s4 =	sld [smem:$0x3FAC]  }
0x2a: {  	p0 =	seq.s32 s5, $0x0;
	s5 =	sld [smem:$0x3FAD]  }
0x2b: {  	s6 =	sld [smem:$0x3FAE]  }
0x2c: {  	s7 =	sld [smem:$0x3FAF]  }
0x2d: {  	s3 =	simm.s32 $0x108;
	s8 =	sld [smem:$0x3FB0]  }
0x2e: {  	s3 =	simm.s32 @!p0 $0x1082;
	s9 =	sld [smem:$0x3FB1]  }
0x2f: {  	lr =	sadd.s32 s0, s3;
	s0 =	sld [smem:$0x3FA8]  }
0x30: {  	s3 =	sld [smem:$0x3FAB]  }
0x31: {  	[smem:$0x3FB4] =	sst s10  }
0x32: {  	s10 =	sld [smem:$0x3FB2];
	_ =	sdelay $0x3  }
0x33: {  	p0 =	seq.s32 s10, $0x1;
	s10 =	sld [smem:$0x3FB4];
	_ =	sdelay $0x3  }
0x34: {  	[smem:$0x3FB4] =	sst s10  }
0x35: {  	s10 =	sld [smem:$0x3FB3];
	_ =	sdelay $0x3  }
0x36: {  	p1 =	seq.s32 s10, $0x1;
	s10 =	sld [smem:$0x3FB4];
	_ =	sdelay $0x3  }
0x37: {  	[smem:$0x3FB4] =	sst s10  }
0x38: {  	s10 =	sld [smem:$0x3FB5]  }
0x39: {  	_ = 	snop;
	(pc) =	sbr.ind lr, $3  }
0x3a: {  	_ = 	snop  }
0x3b: {  	_ = 	snop  }
0x3c: {  	p2 =	seq.s32 s10, $0x1;
	s10 =	sld [smem:$0x3FB4]  }
0x3d: {  	_ =	shalt  }
0x3e: {  	_ =	shalt  }
0x3f: {  	_ =	shalt  }
0x40: {  	_ =	shalt  }
0x41: {  	_ =	shalt  }
0x42: {  	_ =	shalt  }
0x43: {  	_ =	shalt  }
0x44: {  	_ =	shalt  }
0x45: {  	_ =	shalt  }
0x46: {  	_ =	shalt  }
0x47: {  	_ =	shalt  }
0x48: {  	_ =	shalt  }
0x49: {  	_ =	shalt  }
0x4a: {  	_ =	shalt  }
0x4b: {  	_ =	shalt  }
0x4c: {  	_ =	shalt  }
0x4d: {  	_ =	shalt  }
0x4e: {  	_ =	shalt  }
0x4f: {  	_ =	shalt  }
0x50: {  	_ =	shalt  }
0x51: {  	_ =	shalt  }
0x52: {  	_ =	shalt  }
0x53: {  	_ =	shalt  }
0x54: {  	_ =	shalt  }
0x55: {  	_ =	shalt  }
0x56: {  	_ =	shalt  }
0x57: {  	_ =	shalt  }
0x58: {  	_ =	shalt  }
0x59: {  	_ =	shalt  }
0x5a: {  	_ =	shalt  }
0x5b: {  	_ =	shalt  }
0x5c: {  	_ =	shalt  }
0x5d: {  	_ =	shalt  }
0x5e: {  	_ =	shalt  }
0x5f: {  	_ =	shalt  }
0x60: {  	_ =	shalt  }
0x61: {  	_ =	shalt  }
0x62: {  	_ =	shalt  }
0x63: {  	_ =	shalt  }
0x64: {  	_ =	shalt  }
0x65: {  	_ =	shalt  }
0x66: {  	_ =	shalt  }
0x67: {  	_ =	shalt  }
0x68: {  	_ =	shalt  }
0x69: {  	_ =	shalt  }
0x6a: {  	_ =	shalt  }
0x6b: {  	_ =	shalt  }
0x6c: {  	_ =	shalt  }
0x6d: {  	_ =	shalt  }
0x6e: {  	_ =	shalt  }
0x6f: {  	_ =	shalt  }
0x70: {  	_ =	shalt  }
0x71: {  	_ =	shalt  }
0x72: {  	_ =	shalt  }
0x73: {  	_ =	shalt  }
0x74: {  	_ =	shalt  }
0x75: {  	_ =	shalt  }
0x76: {  	_ =	shalt  }
0x77: {  	_ =	shalt  }
0x78: {  	_ =	shalt  }
0x79: {  	_ =	shalt  }
0x7a: {  	_ =	shalt  }
0x7b: {  	_ =	shalt  }
0x7c: {  	_ =	shalt  }
0x7d: {  	_ =	shalt  }
0x7e: {  	_ =	shalt  }
0x7f: {  	_ =	shalt  }
0x80: {  	_ =	shalt  }
0x81: {  	_ =	shalt  }
0x82: {  	_ =	shalt  }
0x83: {  	_ =	shalt  }
0x84: {  	_ =	shalt  }
0x85: {  	_ =	shalt  }
0x86: {  	_ =	shalt  }
0x87: {  	_ =	shalt  }
.Lfunc_end0:
.L_simem_size_0:
called_computation_lowered:
.L_overlay_start_0:
0x88: {  	s2 =	sld [smem:$0x3FD9]  }
0x89: {  	s3 =	sld [smem:$0x3FFE];
	_ =	sdelay $0x1  }
0x8a: {  	s1 =	srdreg.scid  }
0x8b: {  	s0 =	sand.u32 $0x1, s1  }
0x8c: {  	s17 =	sshll.u32 s0, $0xA;
	s2 =	sadd.s32 s3, s2  }
0x8d: {  	s2 =	sadd.s32 s2, s17  }
0x8e: {  	[smem:$0x3FC0] =	sst s2  }
0x8f: {  	_ = 	snop  }
0x90: {  	s2 =	sld [smem:$0x3FD0];
	(tm) =	ssettm $0x1  }
0x91: {  	s18 =	sld [smem:$0x3FFB];
	_ =	sdelay $0x3  }
0x92: {  	_ =	strace s18  }
0x93: {  	s3 =	sld [smem:$0x3FFC];
	_ =	sdelay $0x3  }
0x94: {  	_ =	strace s3  }
0x95: {  	s3 =	sld [smem:$0x3FFD];
	_ =	sdelay $0x3  }
0x96: {  	_ =	strace s3  }
0x97: {  	_ =	strace $0x8FFFFFFF  }
0x98: {  	s19 =	sld [smem:$0x3FDB];
	_ =	sdelay $0x1  }
0x99: {  	s4 =	simm.s32 $_scs_section_size  }
0x9a: {  	s5 =	simm.s32 $_size__tile_overlayer_lowered;
	s6 =	simm.s32 $_tile_overlayer_lowered  }
0x9b: {  	s22 =	simm.s32 $0x1BFF;
	s21 =	sshll.u32 s6, $0x1;
	s3 =	sadd.s32 s4, s19  }
0x9c: {  	s7 =	simm.s32 $0x0;
	s20 =	sshll.u32 s5, $0x1;
	s5 =	sadd.s32 s21, s3  }
0x9d: {  	[timem:s7], [sflag:s22] =	dma.local [hbm:s5], s20  }
0x9e: {  	_ =	swait.ge [sflag:s22], s20  }
0x9f: {  	s4 =	ssub.s32 $0x0, s20;
	[sflag:s22] =	ssyncset.done $0x0  }
0xa0: {  	[sflag:s22] =	ssyncadd.s32 s4;
	_ =	sdelay $0x1  }
0xa1: {  	s23 =	simm.s32 $0x1B8B  }
0xa2: {  	_ =	swait.ge [sflag:s23], $0x1  }
0xa3: {  	[sflag:s23] =	ssyncset.done $0x0  }
0xa4: {  	s25 =	simm.s32 $0x1B8E;
	s24 =	sld [smem:$0x3FFE];
	[sflag:s23] =	ssyncadd.s32 $0xFFFFFFFF  }
0xa5: {  	s26 =	simm.s32 $execute0_lowered;
	[smem:$0x3FD2] =	sst s25  }
0xa6: {  	s5 =	sshll.u32 s26, $0x1;
	_ =	strace $0x80000046;
	[dreg:$0x1] =	wrdreg $0xFFFFFFFF  }
0xa7: {  	s28 =	simm.s32 $_size_execute0_lowered;
	s3 =	sadd.s32 s3, s5;
	[dreg:$0x0] =	wrdreg $0x0  }
0xa8: {  	s5 =	sshll.u32 s28, $0x1;
	[dreg:$0x2] =	wrdreg s3  }
0xa9: {  	[dreg:$0x3] =	wrdreg s5  }
0xaa: {  	[dreg:$0x4] =	wrdreg $0xC0  }
0xab: {  	_ =	task [dreg:s7], $0x5FFFF  }
0xac: {  	[dreg:$0x1] =	wrdreg $0xFFFFFFFF  }
0xad: {  	[dreg:$0x0] =	wrdreg $0x60  }
0xae: {  	[dreg:$0x2] =	wrdreg s24  }
0xaf: {  	[dreg:$0x3] =	wrdreg s2  }
0xb0: {  	[dreg:$0x4] =	wrdreg $0x92800  }
0xb1: {  	[dreg:$0x5] =	wrdreg $0x1D2800  }
0xb2: {  	[dreg:$0x6] =	wrdreg $0x9  }
0xb3: {  	_ =	task.clear_ibuf [dreg:s7], $0x7FFFF;
	_ =	strace $0x90000046  }
0xb4: {  	s29 =	simm.s32 $0x9;
	_ =	strace $0x80000048  }
0xb5: {  	_ =	swait.ge [sflag:s29], $0x1  }
0xb6: {  	[sflag:s29] =	ssyncadd.s32 $0xFFFFFFFF  }
0xb7: {  	_ =	strace $0x90000048  }
0xb8: {  	_ =	sfence  }
0xb9: {  	s30 =	sld [smem:$0x0];
	_ =	sdelay $0x2  }
0xba: {  	s31 =	sshll.u32 s1, $0xD;
	s1 =	sshrl.u32 s1, $0x2  }
0xbb: {  	s3 =	sand.u32 $0x4000, s31;
	s1 =	sadd.s32 s1, s30  }
0xbc: {  	s0 =	sor.u32 s3, s0;
	s1 =	sshll.u32 s1, $0x11  }
0xbd: {  	s0 =	sor.u32 s1, s0  }
0xbe: {  	s0 =	sadd.s32 $0x8F2B, s0  }
0xbf: {  	[sflag:s0] =	ssyncadd.remote.s32 $0x1  }
0xc0: {  	_ =	sfence.sel $0xFFFF  }
0xc1: {  	[dreg:$0x0] =	wrdreg $0xFFFFFFFF;
	(pc) =	sbr.abs _section_cstart, $3  }
0xc2: {  	[dreg:$0x1] =	wrdreg $0xFFFFFFFF  }
0xc3: {  	_ =	task.clear_ibuf [dreg:s7], $0x2FFFF;
	_ =	strace $0x9FFFFFFF  }
0xc4: {  	(tm) =	ssettm $0x7FFFFFFF  }
0xc5: {  	_ =	shalt  }
tec
execute0_lowered:
.L_overlay_start_1:
0x0: {  	(tag) =	ssettag $0x1  }
0x1: {  	s6 =	rddreg [dreg:$0x0]  }
0x2: {  	s7 =	rddreg [dreg:$0x1]  }
0x3: {  	s1 =	rddreg [dreg:$0x2]  }
0x4: {  	s3 =	rddreg [dreg:$0x3]  }
0x5: {  	s2 =	srdreg.scid;
	s4 =	simm.s32 $0x0;
	s18 =	simm.s32 $0x2800  }
0x6: {  	s19 =	simm.s32 $0x9000;
	s20 =	simm.s32 $0x5000;
	s8 =	sand.u32 $0x1, s2  }
0x7: {  	s21 =	simm.s32 $0x80;
	s2 =	stileid.u32;
	s5 =	smul.u32 $0x140000, s8  }
0x8: {  	s22 =	simm.s32 $0x1;
	s25 =	simm.s32 $0x20;
	s10 =	smul.u32 $0x14000, s2  }
0x9: {  	s28 =	simm.s32 $0x0;
	[smem:$0x7FF] =	sst s4;
	s11 =	smul.u32 $0x500, s2  }
0xa: {  	s9 =	sshll.u32 s8, $0x4;
	_ =	strace $0x80000047;
	s29 =	smul.u32 $0x50000, s2  }
0xb: {  	s26 =	sshll.u32 s8, $0x7;
	s8 =	ssub.s32 $0x2, s8;
	s15 =	smul.u32 $0xA00, s2  }
0xc: {  	s23 =	sshll.u32 s2, $0x6;
	s9 =	sor.u32 s2, s9;
	s13 =	sshrl.u32 s8, $0x1  }
0xd: {  	s23 =	sor.u32 $0x1C02, s23;
	s9 =	smul.u32 $0x500, s9;
	s10 =	sadd.s32 s10, s5  }
0xe: {  	s5 =	sadd.s32 $0xC200, s6;
	s17 =	ssub.s32 s8, s13;
	s30 =	sshrl.u32 s29, $0x2  }
0xf: {  	s31 =	sshrl.u32 s15, $0x2;
	s10 =	sshrl.u32 s10, $0x3;
	s12 =	sadd.s32 s9, s6  }
0x10: {  	s14 =	sadd.s32 s10, s6;
	s10 =	sor.u32 s26, s11;
	s26 =	simm.s32 $0x10  }
0x11: {  	s10 =	sshrl.u32 s10, $0x3;
	s8 =	sadd.s32 $0x2200, s12;
	s14 =	sadd.s32 $0x34C00, s14  }
0x12: {  	s16 =	sadd.s32 s10, s6;
	s6 =	sadd.s32 s7, s9;
	s7 =	sadd.s32 s30, s1  }
0x13: {  	s9 =	sadd.s32 s31, s3;
	s10 =	sadd.s32 $0x4000, s7;
	s11 =	sadd.s32 $0x8000, s7  }
0x14: {  	s12 =	sadd.s32 $0xC000, s7;
	s13 =	sadd.s32 $0x10000, s7;
	s15 =	sadd.s32 $0x34200, s16  }
0x15: {  	v0 =	vimm.f32 $0.0e+00;
	v1 =	vimm.f32 $1.000000000e+00;
	s16 =	smax.u32 s17, $0x1;
	s17 =	simm.s32 $0x2;
	s24 =	sshrl.u32 s7, $0x3  }
.LBB2_1:
0x16: {  	[tilespmem:s4], [sflag:$0x2] =	stream.linear.gather [hbm4b:s6+s4], $0x2800, $0x38;
	[tilespmem:$0x1D500] =	vst v63  }
0x17: {  	_ =	swait.ge [sflag:s17], $0x2800  }
0x18: {  	[sflag:s17] =	ssyncset.done $0x0  }
0x19: {  	[sflag:s17] =	ssyncadd.s32 $0xFFFFD800  }
0x1a: {  	[tilespmem:s18], [sflag:$0x2] =	stream.linear.gather [hbm4b:s8+s4], $0x2800, $0x38;
	[tilespmem:$0x1D500] =	vst v63  }
0x1b: {  	_ =	swait.ge [sflag:s17], $0x2800  }
0x1c: {  	[sflag:s17] =	ssyncset.done $0x0  }
0x1d: {  	s29 =	simm.s32 $0x0;
	s30 =	simm.s32 $0x200;
	[sflag:s17] =	ssyncadd.s32 $0xFFFFD800  }
.LBB2_2:
0x1e: {  	p0 =	sne.s32 s30, $0xFE00;
	[tilespmem:s29+$0x5070] =	vst v0  }
0x1f: {  	[tilespmem:s29+$0x5000] =	vst v0  }
0x20: {  	[tilespmem:s29+$0x5010] =	vst v0  }
.Ltmp0:
0x21: {  	[tilespmem:s29+$0x5020] =	vst v0;
	(pc) =	sbr.rel @p0 .LBB2_2-.Ltmp0, $4  }
0x22: {  	[tilespmem:s29+$0x5030] =	vst v0  }
0x23: {  	[tilespmem:s29+$0x5040] =	vst v0  }
0x24: {  	[tilespmem:s29+$0x5050] =	vst v0  }
0x25: {  	[tilespmem:s29+$0x5060] =	vst v0;
	s29 =	sshra.s32 s30, $0x2;
	s30 =	sadd.s32 $0x200, s30  }
0x26: {  	[tilespmem:s29+$0x5070] =	vst v0  }
0x27: {  	[tilespmem:s29+$0x5000] =	vst v0  }
0x28: {  	[tilespmem:s29+$0x5010] =	vst v0  }
0x29: {  	[tilespmem:s29+$0x5020] =	vst v0  }
0x2a: {  	[tilespmem:s29+$0x5030] =	vst v0  }
0x2b: {  	[tilespmem:s29+$0x5040] =	vst v0  }
0x2c: {  	[tilespmem:s29+$0x5050] =	vst v0  }
0x2d: {  	[tilespmem:s29+$0x5060] =	vst v0  }
0x2e: {  	[tilespmem:$0x9000] =	vst v0  }
0x2f: {  	[tilespmem:$0x9010] =	vst v0  }
0x30: {  	[tilespmem:$0x9020] =	vst v0  }
0x31: {  	[tilespmem:$0x9030] =	vst v0  }
0x32: {  	[tilespmem:$0x9040] =	vst v0  }
0x33: {  	[tilespmem:$0x9050] =	vst v0  }
0x34: {  	[tilespmem:$0x9060] =	vst v0  }
0x35: {  	[tilespmem:$0x9070] =	vst v0  }
0x36: {  	[tilespmem:$0x9080] =	vst v0  }
0x37: {  	[tilespmem:$0x9090] =	vst v0  }
0x38: {  	[tilespmem:$0x90A0] =	vst v0  }
0x39: {  	[tilespmem:$0x90B0] =	vst v0  }
0x3a: {  	[tilespmem:$0x90C0] =	vst v0  }
0x3b: {  	[tilespmem:$0x90D0] =	vst v0  }
0x3c: {  	[tilespmem:$0x90E0] =	vst v0  }
0x3d: {  	[tilespmem:$0x90F0] =	vst v0  }
0x3e: {  	[tilespmem:$0x9100] =	vst v0  }
0x3f: {  	[tilespmem:$0x9110] =	vst v0  }
0x40: {  	[tilespmem:$0x9120] =	vst v0  }
0x41: {  	[tilespmem:$0x9130] =	vst v0  }
0x42: {  	[tilespmem:$0x9140] =	vst v0  }
0x43: {  	[tilespmem:$0x9150] =	vst v0  }
0x44: {  	[tilespmem:$0x9160] =	vst v0  }
0x45: {  	[tilespmem:$0x9170] =	vst v0  }
0x46: {  	[tilespmem:$0x9180] =	vst v0  }
0x47: {  	[tilespmem:$0x9190] =	vst v0  }
0x48: {  	[tilespmem:$0x91A0] =	vst v0  }
0x49: {  	[tilespmem:$0x91B0] =	vst v0  }
0x4a: {  	[tilespmem:$0x91C0] =	vst v0  }
0x4b: {  	[tilespmem:$0x91D0] =	vst v0  }
0x4c: {  	[tilespmem:$0x91E0] =	vst v0  }
0x4d: {  	[tilespmem:$0x91F0] =	vst v0  }
0x4e: {  	[tilespmem:$0x9200] =	vst v0  }
0x4f: {  	[tilespmem:$0x9210] =	vst v0  }
0x50: {  	[tilespmem:$0x9220] =	vst v0  }
0x51: {  	[tilespmem:$0x9230] =	vst v0  }
0x52: {  	[tilespmem:$0x9240] =	vst v0  }
0x53: {  	[tilespmem:$0x9250] =	vst v0  }
0x54: {  	[tilespmem:$0x9260] =	vst v0  }
0x55: {  	[tilespmem:$0x9270] =	vst v0  }
0x56: {  	[spmem:s9] =	stream.linear.scatter [tilespmem:s19], [sflag:$0x2], $0x280, $0x38;
	[tilespmem:$0x1D500] =	vst v63  }
0x57: {  	_ =	swait.ge [sflag:s17], $0x280  }
0x58: {  	[sflag:s17] =	ssyncset.done $0x0  }
0x59: {  	[sflag:s17] =	ssyncadd.s32 $0xFFFFFD80  }
0x5a: {  	[spmem:s7] =	stream.linear.scatter [tilespmem:s20], [sflag:$0x2], $0x4000, $0x38;
	[tilespmem:$0x1D500] =	vst v63  }
0x5b: {  	_ =	swait.ge [sflag:s17], $0x4000  }
0x5c: {  	[sflag:s17] =	ssyncset.done $0x0  }
0x5d: {  	[sflag:s17] =	ssyncadd.s32 $0xFFFFC000  }
0x5e: {  	[spmem:s10] =	stream.linear.scatter [tilespmem:s20], [sflag:$0x2], $0x4000, $0x38;
	[tilespmem:$0x1D500] =	vst v63  }
0x5f: {  	_ =	swait.ge [sflag:s17], $0x4000  }
0x60: {  	[sflag:s17] =	ssyncset.done $0x0  }
0x61: {  	[sflag:s17] =	ssyncadd.s32 $0xFFFFC000  }
0x62: {  	[spmem:s11] =	stream.linear.scatter [tilespmem:s20], [sflag:$0x2], $0x4000, $0x38;
	[tilespmem:$0x1D500] =	vst v63  }
0x63: {  	_ =	swait.ge [sflag:s17], $0x4000  }
0x64: {  	[sflag:s17] =	ssyncset.done $0x0  }
0x65: {  	[sflag:s17] =	ssyncadd.s32 $0xFFFFC000  }
0x66: {  	[spmem:s12] =	stream.linear.scatter [tilespmem:s20], [sflag:$0x2], $0x4000, $0x38;
	[tilespmem:$0x1D500] =	vst v63  }
0x67: {  	_ =	swait.ge [sflag:s17], $0x4000  }
0x68: {  	[sflag:s17] =	ssyncset.done $0x0  }
0x69: {  	[sflag:s17] =	ssyncadd.s32 $0xFFFFC000  }
0x6a: {  	[spmem:s13] =	stream.linear.scatter [tilespmem:s20], [sflag:$0x2], $0x4000, $0x38;
	[tilespmem:$0x1D500] =	vst v63  }
0x6b: {  	_ =	swait.ge [sflag:s17], $0x4000  }
0x6c: {  	[sflag:s17] =	ssyncset.done $0x0  }
0x6d: {  	[sflag:s17] =	ssyncadd.s32 $0xFFFFC000  }
0x6e: {  	[tilespmem:$0x9000] =	vst v1  }
0x6f: {  	[tilespmem:$0x9010] =	vst v1  }
0x70: {  	[tilespmem:$0x9020] =	vst v1  }
0x71: {  	[tilespmem:$0x9030] =	vst v1  }
0x72: {  	[tilespmem:$0x9040] =	vst v1  }
0x73: {  	[tilespmem:$0x9050] =	vst v1  }
0x74: {  	[tilespmem:$0x9060] =	vst v1  }
0x75: {  	[tilespmem:$0x9070] =	vst v1  }
0x76: {  	s29 =	simm.s32 $0x0;
	[bflag:$0x0] =	sbarrier.arrive $0xFFFF  }
0x77: {  	[tilespmem:s20], [sflag:$0x1] =	stream.indirect.gather [hbm4b:s5+s21], $0x80, s29, s21, $0xb8;
	[tilespmem:$0x1D500] =	vst v63  }
0x78: {  	_ =	swait.ge [sflag:s22], $0x4000  }
0x79: {  	[sflag:s22] =	ssyncset.done $0x0  }
0x7a: {  	s29 =	simm.s32 $0x2800;
	[sflag:s22] =	ssyncadd.s32 $0xFFFFC000  }
0x7b: {  	[spmem:s1] =	stream.indirect.scatter.add.f32 [tilespmem:s20], [sflag:$0x2], $0x80, s29, s21, $0xb8;
	[tilespmem:$0x1D500] =	vst v63  }
0x7c: {  	_ =	swait.ge [sflag:s17], $0x4000  }
0x7d: {  	[sflag:s17] =	ssyncset.done $0x0  }
0x7e: {  	[sflag:s17] =	ssyncadd.s32 $0xFFFFC000  }
0x7f: {  	[spmem:s3] =	stream.indirect.scatter.add.f32 [tilespmem:s19], [sflag:$0x2], $0x1, s29, s21, $0xb8;
	[tilespmem:$0x1D500] =	vst v63  }
0x80: {  	_ =	swait.ge [sflag:s17], $0x80  }
0x81: {  	s30 =	simm.s32 $0x400;
	s29 =	simm.s32 $0x200;
	[sflag:s17] =	ssyncset.done $0x0  }
.LBB2_4:
0x82: {  	s31 =	sshra.s32 s29, $0x2  }
0x83: {  	[sflag:s17] =	ssyncadd.s32 $0xFFFFFF80;
	s29 =	smov.u32 s30;
	s0 =	sadd.s32 $0x200, s30  }
0x84: {  	[tilespmem:s20], [sflag:$0x1] =	stream.indirect.gather [hbm4b:s5+s21], $0x80, s31, s21, $0xb8;
	[tilespmem:$0x1D500] =	vst v63  }
0x85: {  	p0 =	sne.s32 s30, $0x9E00;
	_ =	swait.ge [sflag:s22], $0x4000  }
0x86: {  	[sflag:s22] =	ssyncset.done $0x0  }
0x87: {  	s30 =	sadd.s32 $0x2800, s31;
	[sflag:s22] =	ssyncadd.s32 $0xFFFFC000  }
0x88: {  	[spmem:s1] =	stream.indirect.scatter.add.f32 [tilespmem:s20], [sflag:$0x2], $0x80, s30, s21, $0xb8;
	[tilespmem:$0x1D500] =	vst v63  }
0x89: {  	_ =	swait.ge [sflag:s17], $0x4000  }
.Ltmp1:
0x8a: {  	[sflag:s17] =	ssyncset.done $0x0;
	(pc) =	sbr.rel @p0 .LBB2_4-.Ltmp1, $4  }
0x8b: {  	[sflag:s17] =	ssyncadd.s32 $0xFFFFC000  }
0x8c: {  	[spmem:s3] =	stream.indirect.scatter.add.f32 [tilespmem:s19], [sflag:$0x2], $0x1, s30, s21, $0xb8;
	[tilespmem:$0x1D500] =	vst v63  }
0x8d: {  	_ =	swait.ge [sflag:s17], $0x80  }
0x8e: {  	s30 =	smov.u32 s0;
	[sflag:s17] =	ssyncset.done $0x0  }
0x8f: {  	s0 =	sshra.s32 s29, $0x2;
	[sflag:s17] =	ssyncadd.s32 $0xFFFFFF80  }
0x90: {  	[tilespmem:s20], [sflag:$0x1] =	stream.indirect.gather [hbm4b:s5+s21], $0x80, s0, s21, $0xb8;
	[tilespmem:$0x1D500] =	vst v63  }
0x91: {  	_ =	swait.ge [sflag:s22], $0x4000  }
0x92: {  	[sflag:s22] =	ssyncset.done $0x0  }
0x93: {  	s0 =	sadd.s32 $0x2800, s0;
	[sflag:s22] =	ssyncadd.s32 $0xFFFFC000  }
0x94: {  	[spmem:s1] =	stream.indirect.scatter.add.f32 [tilespmem:s20], [sflag:$0x2], $0x80, s0, s21, $0xb8;
	[tilespmem:$0x1D500] =	vst v63  }
0x95: {  	_ =	swait.ge [sflag:s17], $0x4000  }
0x96: {  	[sflag:s17] =	ssyncset.done $0x0  }
0x97: {  	[sflag:s17] =	ssyncadd.s32 $0xFFFFC000  }
0x98: {  	[spmem:s3] =	stream.indirect.scatter.add.f32 [tilespmem:s19], [sflag:$0x2], $0x1, s0, s21, $0xb8;
	[tilespmem:$0x1D500] =	vst v63  }
0x99: {  	_ =	swait.ge [sflag:s17], $0x80  }
0x9a: {  	[sflag:s17] =	ssyncset.done $0x0  }
0x9b: {  	[sflag:s17] =	ssyncadd.s32 $0xFFFFFF80  }
0x9c: {  	[bflag:$0x0] =	sbarrier.arrive $0xFFFF  }
0x9d: {  	[hbm:s14], [sflag:s23] =	dma.local [spmem:s24], $0x2800  }
0x9e: {  	s28 =	sadd.s32 $0x1, s28;
	_ =	swait.ge [sflag:s17], $0x2800  }
0x9f: {  	p0 =	sne.s32 s28, s16;
	[sflag:s17] =	ssyncset.done $0x0  }
.Ltmp2:
0xa0: {  	s31 =	sshrl.u32 s9, $0x3;
	[sflag:s17] =	ssyncadd.s32 $0xFFFFD800;
	(pc) =	sbr.rel @p0 .LBB2_1-.Ltmp2, $4  }
0xa1: {  	[hbm:s15@s25], [sflag:s23] =	dma.strided [spmem:s31@s26], $0x50, s22, $0x10   }
0xa2: {  	_ =	swait.ge [sflag:s17], $0x50  }
0xa3: {  	[sflag:s17] =	ssyncset.done $0x0  }
0xa4: {  	[sflag:s17] =	ssyncadd.s32 $0xFFFFFFB0  }
0xa5: {  	_ =	sfence.sel $0x180000  }
0xa6: {  	[bflag:$0x0] =	sbarrier.arrive $0xFFFF  }
0xa7: {  	_ =	strace $0x90000047  }
0xa8: {  	[bflag:$0x2] =	sbarrier.arrive $0xFFFF  }
0xa9: {  	p0 =	sne.s32 s2, $0x0;
	s0 =	rddreg [dreg:$0x4]  }
0xaa: {  	s0 =	sadd.s32 @!p0 $0x100000, s0  }
0xab: {  	[sflag:s0] =	ssyncadd.tile.s32 @!p0 $0x1;
	_ =	shalt  }
.Lfunc_end2:
_tile_overlayer_lowered:
.L_overlay_start_2:
0xac: {  	(tag) =	ssettag $0x2  }
0xad: {  	s0 =	rddreg [dreg:$0x0];
	s2 =	stileid.u32  }
0xae: {  	s1 =	rddreg [dreg:$0x1];
	p0 =	sne.s32 s2, $0x0  }
0xaf: {  	s3 =	rddreg [dreg:$0x2];
	[bflag:$0x3] =	sbarrier.arrive $0xFFFF;
	s2 =	simm.s32 @!p0 $0x1C02  }
0xb0: {  	[timem:s3], [sflag:s2] =	dma.local @!p0 [hbm:s0], s1  }
0xb1: {  	s0 =	simm.s32 @!p0 $0x2  }
0xb2: {  	_ =	swait.ge @!p0 [sflag:s0], s1  }
0xb3: {  	s1 =	ssub.s32 @!p0 $0x0, s1;
	[sflag:s0] =	ssyncset.done @!p0 $0x0  }
0xb4: {  	[sflag:s0] =	ssyncadd.s32 @!p0 s1  }
0xb5: {  	[bflag:$0x3] =	sbarrier.arrive $0xFFFF  }
0xb6: {  	_ =	shalt  }

// kernel: kernel.9.cloned.1.call-start
scs
__scs_entry_jumppad:
0x0: {  	(pc) =	sbr.rel $0x88, $3  }
0x1: {  	(tag) =	ssettag $0x0;
	lr =	simm.s32 $0x1  }
0x2: {  	[smem:$0x3F99] =	sst lr;
	_ =	strace $0xD0000000  }
0x3: {  	_ = 	snop  }
0x4: {  	_ = 	snop  }
0x5: {  	_ = 	snop  }
0x6: {  	_ = 	snop  }
0x7: {  	_ = 	snop  }
__scs_overlays_trampoline_lowered:
0x8: {  	[smem:$0x3FA8] =	sst s0  }
0x9: {  	[smem:$0x3FA9] =	sst s1  }
0xa: {  	[smem:$0x3FAA] =	sst s2  }
0xb: {  	[smem:$0x3FAB] =	sst s3  }
0xc: {  	[smem:$0x3FAC] =	sst s4  }
0xd: {  	[smem:$0x3FAD] =	sst s5  }
0xe: {  	[smem:$0x3FAE] =	sst s6  }
0xf: {  	[smem:$0x3FAF] =	sst s7  }
0x10: {  	[smem:$0x3FB0] =	sst s8  }
0x11: {  	[smem:$0x3FB1] =	sst s9;
	s0 =	simm.s32 @!p0 $0x0  }
0x12: {  	s1 =	sld [smem:$0x3F97];
	s0 =	simm.s32 @p0 $0x1  }
0x13: {  	[smem:$0x3FB2] =	sst s0;
	s0 =	simm.s32 @!p1 $0x0  }
0x14: {  	s2 =	sld [smem:$0x3F96];
	s0 =	simm.s32 @p1 $0x1  }
0x15: {  	[smem:$0x3FB3] =	sst s0;
	s0 =	simm.s32 @!p2 $0x0  }
0x16: {  	s3 =	sld [smem:$0x3FDB];
	s0 =	simm.s32 @p2 $0x1  }
0x17: {  	s4 =	simm.s32 $0x1BF5;
	[smem:$0x3FB5] =	sst s0  }
0x18: {  	s0 =	sld [smem:$0x3F98];
	_ =	swait.ge [sflag:s4], $0x0  }
0x19: {  	s7 =	sld [smem:$0x3F99]  }
0x1a: {  	s8 =	sadd.s32 $0xFFFFE003, lr  }
0x1b: {  	s9 =	sadd.s32 $0xFFFFFEF7, lr;
	s5 =	simm.s32 $0xFFFFFFFF;
	p2 =	slt.u32 s8, $0xFFFFF086  }
0x1c: {  	p1 =	slt.u32 s9, $0xF7A;
	s5 =	simm.s32 @!p2 $0x0  }
0x1d: {  	s5 =	simm.s32 @p1 $0x1;
	p0 =	seq.s32 s7, s2  }
0x1e: {  	s7 =	smul.u32 @!p0 $0xF7A, s2;
	p2 =	seq.s32 @!p0 s5, $0x0  }
0x1f: {  	s9 =	smul.u32 $0xF7A, s1;
	s8 =	simm.s32 @!p0 $0x1BF5;
	p2 =	por !p2, p0  }
0x20: {  	[sflag:s8] =	ssyncset.s32 @!p0 $0xFFFFF086;
	s6 =	sadd.s32 @!p0 s3, s7;
	s7 =	simm.s32 @!p0 $0x108  }
0x21: {  	s3 =	sadd.s32 s3, s9;
	s6 =	sadd.s32 @!p0 $0x88, s6;
	s7 =	simm.s32 @p2 $0x1082  }
0x22: {  	[simem:s7], [sflag:s8] =	dma.local @!p0 [hbm:s6], $0xF7A  }
0x23: {  	s9 =	sor.u32 $0xD0000000, s2;
	s6 =	simm.s32 $0x108;
	_ =	swait.ge @!p0 [sflag:s8], $0x0  }
0x24: {  	s3 =	sadd.s32 $0x88, s3;
	s6 =	simm.s32 @!p1 $0x1082;
	[sflag:s4] =	ssyncset.s32 $0xFFFFF086  }
0x25: {  	[simem:s6], [sflag:s4] =	dma.local [hbm:s3], $0xF7A  }
0x26: {  	[smem:$0x3F99] =	sst s1;
	(tag) =	ssettag s2;
	_ =	strace s9  }
0x27: {  	s1 =	sld [smem:$0x3FA9]  }
0x28: {  	s2 =	sld [smem:$0x3FAA]  }
0x29: {  	s4 =	sld [smem:$0x3FAC]  }
0x2a: {  	p0 =	seq.s32 s5, $0x0;
	s5 =	sld [smem:$0x3FAD]  }
0x2b: {  	s6 =	sld [smem:$0x3FAE]  }
0x2c: {  	s7 =	sld [smem:$0x3FAF]  }
0x2d: {  	s3 =	simm.s32 $0x108;
	s8 =	sld [smem:$0x3FB0]  }
0x2e: {  	s3 =	simm.s32 @!p0 $0x1082;
	s9 =	sld [smem:$0x3FB1]  }
0x2f: {  	lr =	sadd.s32 s0, s3;
	s0 =	sld [smem:$0x3FA8]  }
0x30: {  	s3 =	sld [smem:$0x3FAB]  }
0x31: {  	[smem:$0x3FB4] =	sst s10  }
0x32: {  	s10 =	sld [smem:$0x3FB2];
	_ =	sdelay $0x3  }
0x33: {  	p0 =	seq.s32 s10, $0x1;
	s10 =	sld [smem:$0x3FB4];
	_ =	sdelay $0x3  }
0x34: {  	[smem:$0x3FB4] =	sst s10  }
0x35: {  	s10 =	sld [smem:$0x3FB3];
	_ =	sdelay $0x3  }
0x36: {  	p1 =	seq.s32 s10, $0x1;
	s10 =	sld [smem:$0x3FB4];
	_ =	sdelay $0x3  }
0x37: {  	[smem:$0x3FB4] =	sst s10  }
0x38: {  	s10 =	sld [smem:$0x3FB5]  }
0x39: {  	_ = 	snop;
	(pc) =	sbr.ind lr, $3  }
0x3a: {  	_ = 	snop  }
0x3b: {  	_ = 	snop  }
0x3c: {  	p2 =	seq.s32 s10, $0x1;
	s10 =	sld [smem:$0x3FB4]  }
0x3d: {  	_ =	shalt  }
0x3e: {  	_ =	shalt  }
0x3f: {  	_ =	shalt  }
0x40: {  	_ =	shalt  }
0x41: {  	_ =	shalt  }
0x42: {  	_ =	shalt  }
0x43: {  	_ =	shalt  }
0x44: {  	_ =	shalt  }
0x45: {  	_ =	shalt  }
0x46: {  	_ =	shalt  }
0x47: {  	_ =	shalt  }
0x48: {  	_ =	shalt  }
0x49: {  	_ =	shalt  }
0x4a: {  	_ =	shalt  }
0x4b: {  	_ =	shalt  }
0x4c: {  	_ =	shalt  }
0x4d: {  	_ =	shalt  }
0x4e: {  	_ =	shalt  }
0x4f: {  	_ =	shalt  }
0x50: {  	_ =	shalt  }
0x51: {  	_ =	shalt  }
0x52: {  	_ =	shalt  }
0x53: {  	_ =	shalt  }
0x54: {  	_ =	shalt  }
0x55: {  	_ =	shalt  }
0x56: {  	_ =	shalt  }
0x57: {  	_ =	shalt  }
0x58: {  	_ =	shalt  }
0x59: {  	_ =	shalt  }
0x5a: {  	_ =	shalt  }
0x5b: {  	_ =	shalt  }
0x5c: {  	_ =	shalt  }
0x5d: {  	_ =	shalt  }
0x5e: {  	_ =	shalt  }
0x5f: {  	_ =	shalt  }
0x60: {  	_ =	shalt  }
0x61: {  	_ =	shalt  }
0x62: {  	_ =	shalt  }
0x63: {  	_ =	shalt  }
0x64: {  	_ =	shalt  }
0x65: {  	_ =	shalt  }
0x66: {  	_ =	shalt  }
0x67: {  	_ =	shalt  }
0x68: {  	_ =	shalt  }
0x69: {  	_ =	shalt  }
0x6a: {  	_ =	shalt  }
0x6b: {  	_ =	shalt  }
0x6c: {  	_ =	shalt  }
0x6d: {  	_ =	shalt  }
0x6e: {  	_ =	shalt  }
0x6f: {  	_ =	shalt  }
0x70: {  	_ =	shalt  }
0x71: {  	_ =	shalt  }
0x72: {  	_ =	shalt  }
0x73: {  	_ =	shalt  }
0x74: {  	_ =	shalt  }
0x75: {  	_ =	shalt  }
0x76: {  	_ =	shalt  }
0x77: {  	_ =	shalt  }
0x78: {  	_ =	shalt  }
0x79: {  	_ =	shalt  }
0x7a: {  	_ =	shalt  }
0x7b: {  	_ =	shalt  }
0x7c: {  	_ =	shalt  }
0x7d: {  	_ =	shalt  }
0x7e: {  	_ =	shalt  }
0x7f: {  	_ =	shalt  }
0x80: {  	_ =	shalt  }
0x81: {  	_ =	shalt  }
0x82: {  	_ =	shalt  }
0x83: {  	_ =	shalt  }
0x84: {  	_ =	shalt  }
0x85: {  	_ =	shalt  }
0x86: {  	_ =	shalt  }
0x87: {  	_ =	shalt  }
.Lfunc_end0:
.L_simem_size_0:
called_computation.1_lowered:
.L_overlay_start_0:
0x88: {  	s2 =	sld [smem:$0x3FD9]  }
0x89: {  	s3 =	sld [smem:$0x3FFE];
	_ =	sdelay $0x1  }
0x8a: {  	s1 =	srdreg.scid  }
0x8b: {  	s0 =	sand.u32 $0x1, s1  }
0x8c: {  	s17 =	sshll.u32 s0, $0xA;
	s2 =	sadd.s32 s3, s2  }
0x8d: {  	s2 =	sadd.s32 s2, s17  }
0x8e: {  	[smem:$0x3FC0] =	sst s2  }
0x8f: {  	_ = 	snop  }
0x90: {  	s2 =	sld [smem:$0x3FD0];
	(tm) =	ssettm $0x1  }
0x91: {  	s18 =	sld [smem:$0x3FFB];
	_ =	sdelay $0x3  }
0x92: {  	_ =	strace s18  }
0x93: {  	s3 =	sld [smem:$0x3FFC];
	_ =	sdelay $0x3  }
0x94: {  	_ =	strace s3  }
0x95: {  	s3 =	sld [smem:$0x3FFD];
	_ =	sdelay $0x3  }
0x96: {  	_ =	strace s3  }
0x97: {  	_ =	strace $0x8FFFFFFF  }
0x98: {  	s19 =	sld [smem:$0x3FDB];
	_ =	sdelay $0x1  }
0x99: {  	s4 =	simm.s32 $_scs_section_size  }
0x9a: {  	s5 =	simm.s32 $_size__tile_overlayer_lowered;
	s6 =	simm.s32 $_tile_overlayer_lowered  }
0x9b: {  	s22 =	simm.s32 $0x1BFF;
	s21 =	sshll.u32 s6, $0x1;
	s3 =	sadd.s32 s4, s19  }
0x9c: {  	s7 =	simm.s32 $0x0;
	s20 =	sshll.u32 s5, $0x1;
	s5 =	sadd.s32 s21, s3  }
0x9d: {  	[timem:s7], [sflag:s22] =	dma.local [hbm:s5], s20  }
0x9e: {  	_ =	swait.ge [sflag:s22], s20  }
0x9f: {  	s4 =	ssub.s32 $0x0, s20;
	[sflag:s22] =	ssyncset.done $0x0  }
0xa0: {  	[sflag:s22] =	ssyncadd.s32 s4;
	_ =	sdelay $0x1  }
0xa1: {  	s23 =	simm.s32 $0x1B8B  }
0xa2: {  	_ =	swait.ge [sflag:s23], $0x1  }
0xa3: {  	[sflag:s23] =	ssyncset.done $0x0  }
0xa4: {  	s25 =	simm.s32 $0x1B8E;
	s24 =	sld [smem:$0x3FFE];
	[sflag:s23] =	ssyncadd.s32 $0xFFFFFFFF  }
0xa5: {  	s26 =	simm.s32 $execute0_lowered;
	[smem:$0x3FD2] =	sst s25  }
0xa6: {  	s5 =	sshll.u32 s26, $0x1;
	_ =	strace $0x80000049;
	[dreg:$0x1] =	wrdreg $0xFFFFFFFF  }
0xa7: {  	s28 =	simm.s32 $_size_execute0_lowered;
	s3 =	sadd.s32 s3, s5;
	[dreg:$0x0] =	wrdreg $0x0  }
0xa8: {  	s5 =	sshll.u32 s28, $0x1;
	[dreg:$0x2] =	wrdreg s3  }
0xa9: {  	[dreg:$0x3] =	wrdreg s5  }
0xaa: {  	[dreg:$0x4] =	wrdreg $0xC0  }
0xab: {  	_ =	task [dreg:s7], $0x5FFFF  }
0xac: {  	[dreg:$0x1] =	wrdreg $0xFFFFFFFF  }
0xad: {  	[dreg:$0x0] =	wrdreg $0x60  }
0xae: {  	[dreg:$0x2] =	wrdreg s24  }
0xaf: {  	[dreg:$0x3] =	wrdreg s2  }
0xb0: {  	[dreg:$0x4] =	wrdreg $0x92800  }
0xb1: {  	[dreg:$0x5] =	wrdreg $0x1D2800  }
0xb2: {  	[dreg:$0x6] =	wrdreg $0x9  }
0xb3: {  	_ =	task.clear_ibuf [dreg:s7], $0x7FFFF;
	_ =	strace $0x90000049  }
0xb4: {  	s29 =	simm.s32 $0x9;
	_ =	strace $0x8000004B  }
0xb5: {  	_ =	swait.ge [sflag:s29], $0x1  }
0xb6: {  	[sflag:s29] =	ssyncadd.s32 $0xFFFFFFFF  }
0xb7: {  	_ =	strace $0x9000004B  }
0xb8: {  	_ =	sfence  }
0xb9: {  	s30 =	sld [smem:$0x0];
	_ =	sdelay $0x2  }
0xba: {  	s31 =	sshll.u32 s1, $0xD;
	s1 =	sshrl.u32 s1, $0x2  }
0xbb: {  	s3 =	sand.u32 $0x4000, s31;
	s1 =	sadd.s32 s1, s30  }
0xbc: {  	s0 =	sor.u32 s3, s0;
	s1 =	sshll.u32 s1, $0x11  }
0xbd: {  	s0 =	sor.u32 s1, s0  }
0xbe: {  	s0 =	sadd.s32 $0x8F2B, s0  }
0xbf: {  	[sflag:s0] =	ssyncadd.remote.s32 $0x1  }
0xc0: {  	_ =	sfence.sel $0xFFFF  }
0xc1: {  	[dreg:$0x0] =	wrdreg $0xFFFFFFFF;
	(pc) =	sbr.abs _section_cstart, $3  }
0xc2: {  	[dreg:$0x1] =	wrdreg $0xFFFFFFFF  }
0xc3: {  	_ =	task.clear_ibuf [dreg:s7], $0x2FFFF;
	_ =	strace $0x9FFFFFFF  }
0xc4: {  	(tm) =	ssettm $0x7FFFFFFF  }
0xc5: {  	_ =	shalt  }
tec
execute0_lowered:
.L_overlay_start_1:
0x0: {  	(tag) =	ssettag $0x1  }
0x1: {  	s5 =	rddreg [dreg:$0x0]  }
0x2: {  	s7 =	rddreg [dreg:$0x1]  }
0x3: {  	s2 =	rddreg [dreg:$0x2]  }
0x4: {  	s0 =	srdreg.scid;
	s8 =	rddreg [dreg:$0x3];
	s3 =	simm.s32 $0x0  }
0x5: {  	s17 =	simm.s32 $0x9000;
	s18 =	simm.s32 $0x5000;
	s6 =	sand.u32 $0x1, s0  }
0x6: {  	s19 =	simm.s32 $0x80;
	s0 =	stileid.u32;
	s10 =	smul.u32 $0x140000, s6  }
0x7: {  	s20 =	simm.s32 $0x1;
	s23 =	simm.s32 $0x0;
	s11 =	smul.u32 $0x14000, s0  }
0x8: {  	[smem:$0x7FF] =	sst s3;
	s4 =	sadd.s32 $0xC200, s5;
	s29 =	smul.u32 $0x50000, s0  }
0x9: {  	s1 =	sshll.u32 s6, $0x4;
	s6 =	ssub.s32 $0x2, s6;
	s14 =	smul.u32 $0xA00, s0  }
0xa: {  	s21 =	sshll.u32 s0, $0x6;
	s1 =	sor.u32 s0, s1;
	s13 =	sshrl.u32 s6, $0x1  }
0xb: {  	s21 =	sor.u32 $0x1C02, s21;
	s9 =	smul.u32 $0x500, s1;
	s1 =	rddreg [dreg:$0x4]  }
0xc: {  	_ =	strace $0x8000004A;
	s10 =	sadd.s32 s11, s10;
	s16 =	ssub.s32 s6, s13  }
0xd: {  	s30 =	sshrl.u32 s29, $0x2;
	s31 =	sshrl.u32 s14, $0x2;
	s10 =	sshrl.u32 s10, $0x3  }
0xe: {  	s6 =	sadd.s32 s30, s2;
	s8 =	sadd.s32 s31, s8;
	s14 =	smax.u32 s16, $0x1  }
0xf: {  	s16 =	simm.s32 $0x2800;
	s12 =	sadd.s32 s9, s5;
	s15 =	sadd.s32 s10, s5  }
0x10: {  	s5 =	sadd.s32 s7, s9;
	s9 =	sadd.s32 $0x4000, s6;
	s10 =	sadd.s32 $0x8000, s6  }
0x11: {  	s11 =	sadd.s32 $0xC000, s6;
	s22 =	sshrl.u32 s6, $0x3;
	s7 =	sadd.s32 $0x2200, s12  }
0x12: {  	v0 =	vimm.f32 $0.0e+00;
	s12 =	sadd.s32 $0x10000, s6;
	s13 =	sadd.s32 $0x34200, s15;
	s15 =	simm.s32 $0x2  }
.LBB2_1:
0x13: {  	[tilespmem:s3], [sflag:$0x2] =	stream.linear.gather [hbm4b:s5+s3], $0x2800, $0x38;
	[tilespmem:$0x1D500] =	vst v63  }
0x14: {  	_ =	swait.ge [sflag:s15], $0x2800  }
0x15: {  	[sflag:s15] =	ssyncset.done $0x0  }
0x16: {  	[sflag:s15] =	ssyncadd.s32 $0xFFFFD800  }
0x17: {  	[tilespmem:s16], [sflag:$0x2] =	stream.linear.gather [hbm4b:s7+s3], $0x2800, $0x38;
	[tilespmem:$0x1D500] =	vst v63  }
0x18: {  	_ =	swait.ge [sflag:s15], $0x2800  }
0x19: {  	[sflag:s15] =	ssyncset.done $0x0  }
0x1a: {  	s24 =	simm.s32 $0x0;
	s25 =	simm.s32 $0x200;
	[sflag:s15] =	ssyncadd.s32 $0xFFFFD800  }
.LBB2_2:
0x1b: {  	p0 =	sne.s32 s25, $0xFE00;
	[tilespmem:s24+$0x5070] =	vst v0  }
0x1c: {  	[tilespmem:s24+$0x5000] =	vst v0  }
0x1d: {  	[tilespmem:s24+$0x5010] =	vst v0  }
.Ltmp0:
0x1e: {  	[tilespmem:s24+$0x5020] =	vst v0;
	(pc) =	sbr.rel @p0 .LBB2_2-.Ltmp0, $4  }
0x1f: {  	[tilespmem:s24+$0x5030] =	vst v0  }
0x20: {  	[tilespmem:s24+$0x5040] =	vst v0  }
0x21: {  	[tilespmem:s24+$0x5050] =	vst v0  }
0x22: {  	[tilespmem:s24+$0x5060] =	vst v0;
	s24 =	sshra.s32 s25, $0x2;
	s25 =	sadd.s32 $0x200, s25  }
0x23: {  	[tilespmem:s24+$0x5070] =	vst v0  }
0x24: {  	[tilespmem:s24+$0x5000] =	vst v0  }
0x25: {  	[tilespmem:s24+$0x5010] =	vst v0  }
0x26: {  	[tilespmem:s24+$0x5020] =	vst v0  }
0x27: {  	[tilespmem:s24+$0x5030] =	vst v0  }
0x28: {  	[tilespmem:s24+$0x5040] =	vst v0  }
0x29: {  	[tilespmem:s24+$0x5050] =	vst v0  }
0x2a: {  	[tilespmem:s24+$0x5060] =	vst v0  }
0x2b: {  	[tilespmem:$0x9000] =	vst v0  }
0x2c: {  	[tilespmem:$0x9010] =	vst v0  }
0x2d: {  	[tilespmem:$0x9020] =	vst v0  }
0x2e: {  	[tilespmem:$0x9030] =	vst v0  }
0x2f: {  	[tilespmem:$0x9040] =	vst v0  }
0x30: {  	[tilespmem:$0x9050] =	vst v0  }
0x31: {  	[tilespmem:$0x9060] =	vst v0  }
0x32: {  	[tilespmem:$0x9070] =	vst v0  }
0x33: {  	[tilespmem:$0x9080] =	vst v0  }
0x34: {  	[tilespmem:$0x9090] =	vst v0  }
0x35: {  	[tilespmem:$0x90A0] =	vst v0  }
0x36: {  	[tilespmem:$0x90B0] =	vst v0  }
0x37: {  	[tilespmem:$0x90C0] =	vst v0  }
0x38: {  	[tilespmem:$0x90D0] =	vst v0  }
0x39: {  	[tilespmem:$0x90E0] =	vst v0  }
0x3a: {  	[tilespmem:$0x90F0] =	vst v0  }
0x3b: {  	[tilespmem:$0x9100] =	vst v0  }
0x3c: {  	[tilespmem:$0x9110] =	vst v0  }
0x3d: {  	[tilespmem:$0x9120] =	vst v0  }
0x3e: {  	[tilespmem:$0x9130] =	vst v0  }
0x3f: {  	[tilespmem:$0x9140] =	vst v0  }
0x40: {  	[tilespmem:$0x9150] =	vst v0  }
0x41: {  	[tilespmem:$0x9160] =	vst v0  }
0x42: {  	[tilespmem:$0x9170] =	vst v0  }
0x43: {  	[tilespmem:$0x9180] =	vst v0  }
0x44: {  	[tilespmem:$0x9190] =	vst v0  }
0x45: {  	[tilespmem:$0x91A0] =	vst v0  }
0x46: {  	[tilespmem:$0x91B0] =	vst v0  }
0x47: {  	[tilespmem:$0x91C0] =	vst v0  }
0x48: {  	[tilespmem:$0x91D0] =	vst v0  }
0x49: {  	[tilespmem:$0x91E0] =	vst v0  }
0x4a: {  	[tilespmem:$0x91F0] =	vst v0  }
0x4b: {  	[tilespmem:$0x9200] =	vst v0  }
0x4c: {  	[tilespmem:$0x9210] =	vst v0  }
0x4d: {  	[tilespmem:$0x9220] =	vst v0  }
0x4e: {  	[tilespmem:$0x9230] =	vst v0  }
0x4f: {  	[tilespmem:$0x9240] =	vst v0  }
0x50: {  	[tilespmem:$0x9250] =	vst v0  }
0x51: {  	[tilespmem:$0x9260] =	vst v0  }
0x52: {  	[tilespmem:$0x9270] =	vst v0  }
0x53: {  	[spmem:s8] =	stream.linear.scatter [tilespmem:s17], [sflag:$0x2], $0x280, $0x38;
	[tilespmem:$0x1D500] =	vst v63  }
0x54: {  	_ =	swait.ge [sflag:s15], $0x280  }
0x55: {  	[sflag:s15] =	ssyncset.done $0x0  }
0x56: {  	[sflag:s15] =	ssyncadd.s32 $0xFFFFFD80  }
0x57: {  	[spmem:s6] =	stream.linear.scatter [tilespmem:s18], [sflag:$0x2], $0x4000, $0x38;
	[tilespmem:$0x1D500] =	vst v63  }
0x58: {  	_ =	swait.ge [sflag:s15], $0x4000  }
0x59: {  	[sflag:s15] =	ssyncset.done $0x0  }
0x5a: {  	[sflag:s15] =	ssyncadd.s32 $0xFFFFC000  }
0x5b: {  	[spmem:s9] =	stream.linear.scatter [tilespmem:s18], [sflag:$0x2], $0x4000, $0x38;
	[tilespmem:$0x1D500] =	vst v63  }
0x5c: {  	_ =	swait.ge [sflag:s15], $0x4000  }
0x5d: {  	[sflag:s15] =	ssyncset.done $0x0  }
0x5e: {  	[sflag:s15] =	ssyncadd.s32 $0xFFFFC000  }
0x5f: {  	[spmem:s10] =	stream.linear.scatter [tilespmem:s18], [sflag:$0x2], $0x4000, $0x38;
	[tilespmem:$0x1D500] =	vst v63  }
0x60: {  	_ =	swait.ge [sflag:s15], $0x4000  }
0x61: {  	[sflag:s15] =	ssyncset.done $0x0  }
0x62: {  	[sflag:s15] =	ssyncadd.s32 $0xFFFFC000  }
0x63: {  	[spmem:s11] =	stream.linear.scatter [tilespmem:s18], [sflag:$0x2], $0x4000, $0x38;
	[tilespmem:$0x1D500] =	vst v63  }
0x64: {  	_ =	swait.ge [sflag:s15], $0x4000  }
0x65: {  	[sflag:s15] =	ssyncset.done $0x0  }
0x66: {  	[sflag:s15] =	ssyncadd.s32 $0xFFFFC000  }
0x67: {  	[spmem:s12] =	stream.linear.scatter [tilespmem:s18], [sflag:$0x2], $0x4000, $0x38;
	[tilespmem:$0x1D500] =	vst v63  }
0x68: {  	_ =	swait.ge [sflag:s15], $0x4000  }
0x69: {  	[sflag:s15] =	ssyncset.done $0x0  }
0x6a: {  	[sflag:s15] =	ssyncadd.s32 $0xFFFFC000  }
0x6b: {  	s30 =	simm.s32 $0x0;
	[bflag:$0x0] =	sbarrier.arrive $0xFFFF  }
0x6c: {  	[tilespmem:s18], [sflag:$0x1] =	stream.indirect.gather [hbm4b:s4+s19], $0x80, s30, s19, $0xb8;
	[tilespmem:$0x1D500] =	vst v63  }
0x6d: {  	_ =	swait.ge [sflag:s20], $0x4000  }
0x6e: {  	[sflag:s20] =	ssyncset.done $0x0  }
0x6f: {  	s31 =	simm.s32 $0x2800;
	[sflag:s20] =	ssyncadd.s32 $0xFFFFC000  }
0x70: {  	[spmem:s2] =	stream.indirect.scatter.add.f32 [tilespmem:s18], [sflag:$0x2], $0x80, s31, s19, $0xb8;
	[tilespmem:$0x1D500] =	vst v63  }
0x71: {  	_ =	swait.ge [sflag:s15], $0x4000  }
0x72: {  	s24 =	simm.s32 $0x200;
	s25 =	simm.s32 $0x400;
	[sflag:s15] =	ssyncset.done $0x0  }
.LBB2_4:
0x73: {  	s26 =	sshra.s32 s24, $0x2  }
0x74: {  	[sflag:s15] =	ssyncadd.s32 $0xFFFFC000;
	s24 =	smov.u32 s25;
	s28 =	sadd.s32 $0x200, s25  }
0x75: {  	[tilespmem:s18], [sflag:$0x1] =	stream.indirect.gather [hbm4b:s4+s19], $0x80, s26, s19, $0xb8;
	[tilespmem:$0x1D500] =	vst v63  }
0x76: {  	p0 =	sne.s32 s25, $0x9E00;
	_ =	swait.ge [sflag:s20], $0x4000  }
.Ltmp1:
0x77: {  	[sflag:s20] =	ssyncset.done $0x0;
	(pc) =	sbr.rel @p0 .LBB2_4-.Ltmp1, $4  }
0x78: {  	s25 =	sadd.s32 $0x2800, s26;
	[sflag:s20] =	ssyncadd.s32 $0xFFFFC000  }
0x79: {  	[spmem:s2] =	stream.indirect.scatter.add.f32 [tilespmem:s18], [sflag:$0x2], $0x80, s25, s19, $0xb8;
	[tilespmem:$0x1D500] =	vst v63  }
0x7a: {  	_ =	swait.ge [sflag:s15], $0x4000  }
0x7b: {  	s25 =	smov.u32 s28;
	[sflag:s15] =	ssyncset.done $0x0  }
0x7c: {  	s24 =	sshra.s32 s24, $0x2;
	[sflag:s15] =	ssyncadd.s32 $0xFFFFC000  }
0x7d: {  	[tilespmem:s18], [sflag:$0x1] =	stream.indirect.gather [hbm4b:s4+s19], $0x80, s24, s19, $0xb8;
	[tilespmem:$0x1D500] =	vst v63  }
0x7e: {  	_ =	swait.ge [sflag:s20], $0x4000  }
0x7f: {  	[sflag:s20] =	ssyncset.done $0x0  }
0x80: {  	s24 =	sadd.s32 $0x2800, s24;
	[sflag:s20] =	ssyncadd.s32 $0xFFFFC000  }
0x81: {  	[spmem:s2] =	stream.indirect.scatter.add.f32 [tilespmem:s18], [sflag:$0x2], $0x80, s24, s19, $0xb8;
	[tilespmem:$0x1D500] =	vst v63  }
0x82: {  	_ =	swait.ge [sflag:s15], $0x4000  }
0x83: {  	s23 =	sadd.s32 $0x1, s23;
	[sflag:s15] =	ssyncset.done $0x0  }
0x84: {  	p0 =	sne.s32 s23, s14;
	[sflag:s15] =	ssyncadd.s32 $0xFFFFC000  }
.Ltmp2:
0x85: {  	[bflag:$0x0] =	sbarrier.arrive $0xFFFF;
	(pc) =	sbr.rel @p0 .LBB2_1-.Ltmp2, $4  }
0x86: {  	[hbm:s13], [sflag:s21] =	dma.local [spmem:s22], $0x2800  }
0x87: {  	_ =	swait.ge [sflag:s15], $0x2800  }
0x88: {  	[sflag:s15] =	ssyncset.done $0x0  }
0x89: {  	[sflag:s15] =	ssyncadd.s32 $0xFFFFD800  }
0x8a: {  	_ =	sfence.sel $0x180000  }
0x8b: {  	[bflag:$0x0] =	sbarrier.arrive $0xFFFF  }
0x8c: {  	p0 =	sne.s32 s0, $0x0;
	_ =	strace $0x9000004A  }
0x8d: {  	s0 =	sadd.s32 @!p0 $0x100000, s1;
	[bflag:$0x2] =	sbarrier.arrive $0xFFFF  }
0x8e: {  	[sflag:s0] =	ssyncadd.tile.s32 @!p0 $0x1;
	_ =	shalt  }
.Lfunc_end2:
_tile_overlayer_lowered:
.L_overlay_start_2:
0x8f: {  	(tag) =	ssettag $0x2  }
0x90: {  	s0 =	rddreg [dreg:$0x0];
	s2 =	stileid.u32  }
0x91: {  	s1 =	rddreg [dreg:$0x1];
	p0 =	sne.s32 s2, $0x0  }
0x92: {  	s3 =	rddreg [dreg:$0x2];
	[bflag:$0x3] =	sbarrier.arrive $0xFFFF;
	s2 =	simm.s32 @!p0 $0x1C02  }
0x93: {  	[timem:s3], [sflag:s2] =	dma.local @!p0 [hbm:s0], s1  }
0x94: {  	s0 =	simm.s32 @!p0 $0x2  }
0x95: {  	_ =	swait.ge @!p0 [sflag:s0], s1  }
0x96: {  	s1 =	ssub.s32 @!p0 $0x0, s1;
	[sflag:s0] =	ssyncset.done @!p0 $0x0  }
0x97: {  	[sflag:s0] =	ssyncadd.s32 @!p0 s1  }
0x98: {  	[bflag:$0x3] =	sbarrier.arrive $0xFFFF  }
0x99: {  	_ =	shalt  }

</sc_bundles>
